<compile_context>
chip_gen: v7x
topology: tpu7x:2x2x1
jax: 0.10.2.dev20260603
libtpu: 0.0.44.dev20260713+nightly
codegen_flags: <defaults>
</compile_context>

<pallas_src>
import functools

import jax
import jax.numpy as jnp
from jax import lax
from jax.experimental import pallas as pl
from jax.experimental.pallas import tpu as pltpu
from jax.experimental.pallas import tpu_sc as plsc

B, N, C = 8, 2048, 32
NPOINT = 512
R2_0 = 0.2 ** 2
R2_1 = 0.4 ** 2
NS0, NS1 = 16, 32
FW = 48
L = 16



def _fps_body(xyzt_ref, newxyzt_ref, newidx_ref):
    x = xyzt_ref[0]
    y = xyzt_ref[1]
    z = xyzt_ref[2]
    iota_n = lax.broadcasted_iota(jnp.int32, (B, N), 1)
    iota_s = lax.broadcasted_iota(jnp.int32, (B, NPOINT), 1)

    def body(i, st):
        dists, far = st
        sel = iota_s == i
        newidx_ref[...] = jnp.where(sel, far, newidx_ref[...])
        onehot = iota_n == far
        cx = jnp.sum(jnp.where(onehot, x, 0.0), axis=1, keepdims=True)
        cy = jnp.sum(jnp.where(onehot, y, 0.0), axis=1, keepdims=True)
        cz = jnp.sum(jnp.where(onehot, z, 0.0), axis=1, keepdims=True)
        newxyzt_ref[0] = jnp.where(sel, cx, newxyzt_ref[0])
        newxyzt_ref[1] = jnp.where(sel, cy, newxyzt_ref[1])
        newxyzt_ref[2] = jnp.where(sel, cz, newxyzt_ref[2])
        dx = x - cx
        dy = y - cy
        dz = z - cz
        d = dx * dx + dy * dy + dz * dz
        dists = jnp.minimum(dists, d)
        m = jnp.max(dists, axis=1, keepdims=True)
        far = jnp.min(jnp.where(dists == m, iota_n, N), axis=1, keepdims=True)
        return (dists, far)

    init = (
        jnp.full((B, N), 1e10, jnp.float32),
        jnp.zeros((B, 1), jnp.int32),
    )
    lax.fori_loop(0, NPOINT, body, init)


def _fps(xyzt):
    return pl.pallas_call(
        _fps_body,
        out_shape=[
            jax.ShapeDtypeStruct((3, B, NPOINT), jnp.float32),
            jax.ShapeDtypeStruct((B, NPOINT), jnp.int32),
        ],
    )(xyzt)



_ROWS_PER_W = (B * NPOINT) // 32


def _ballq_body(xbf_hbm, sqa_hbm, cbf_hbm, sqn_hbm, table_hbm,
                g1_hbm, g2_hbm,
                xv, yv, zv, sqa_v, ctrx_v, ctry_v, ctrz_v, sqn_v,
                idx1_v, idx2_v, rows1_v, rows2_v, sem):
    w = lax.axis_index("s") * 2 + lax.axis_index("c")
    b = w // 4
    s0 = (w % 4) * _ROWS_PER_W
    pltpu.sync_copy(xbf_hbm.at[pl.ds((0 * B + b) * N, N)], xv)
    pltpu.sync_copy(xbf_hbm.at[pl.ds((1 * B + b) * N, N)], yv)
    pltpu.sync_copy(xbf_hbm.at[pl.ds((2 * B + b) * N, N)], zv)
    pltpu.sync_copy(sqa_hbm.at[pl.ds(b * N, N)], sqa_v)
    pltpu.sync_copy(cbf_hbm.at[pl.ds((0 * B + b) * NPOINT + s0, _ROWS_PER_W)], ctrx_v)
    pltpu.sync_copy(cbf_hbm.at[pl.ds((1 * B + b) * NPOINT + s0, _ROWS_PER_W)], ctry_v)
    pltpu.sync_copy(cbf_hbm.at[pl.ds((2 * B + b) * NPOINT + s0, _ROWS_PER_W)], ctrz_v)
    pltpu.sync_copy(sqn_hbm.at[pl.ds(b * NPOINT + s0, _ROWS_PER_W)], sqn_v)
    lane = jnp.arange(L, dtype=jnp.int32)
    base = b * N

    def row_body(i, carry):
        ii = jnp.full((L,), i, jnp.int32)
        cx = plsc.load_gather(ctrx_v, [ii])
        cy = plsc.load_gather(ctry_v, [ii])
        cz = plsc.load_gather(ctrz_v, [ii])
        sqn = plsc.load_gather(sqn_v, [ii])

        def cond(st):
            j, c1, c2 = st
            return (j < N // L) & ((c1[0] < NS0) | (c2[0] < NS1))

        def chunk(st):
            j, c1, c2 = st
            xq = xv[pl.ds(j * L, L)]
            yq = yv[pl.ds(j * L, L)]
            zq = zv[pl.ds(j * L, L)]
            sqa = sqa_v[pl.ds(j * L, L)]
            dot = (xq * cx + yq * cy) + zq * cz
            d = (sqn + sqa) - 2.0 * dot
            gidx = base + j * L + lane
            m1 = d <= R2_0
            p1 = plsc.cumsum(m1.astype(jnp.int32)) + c1 - 1
            plsc.store_scatter(idx1_v, [p1], gidx, mask=m1 & (p1 < NS0))
            c1 = c1 + plsc.all_reduce_population_count(m1)
            m2 = d <= R2_1
            p2 = plsc.cumsum(m2.astype(jnp.int32)) + c2 - 1
            plsc.store_scatter(idx2_v, [p2], gidx, mask=m2 & (p2 < NS1))
            c2 = c2 + plsc.all_reduce_population_count(m2)
            return (j + 1, c1, c2)

        z16 = jnp.zeros((L,), jnp.int32)
        _, c1, c2 = lax.while_loop(cond, chunk, (jnp.int32(0), z16, z16))

        big = jnp.int32(0x7FFFFFFF)
        c1c = jnp.minimum(c1, NS0)
        v1r = idx1_v[...]
        f1 = jnp.min(jnp.where(lane < c1c, v1r, big))
        v1 = jnp.where(lane < c1c, v1r, f1)
        c2c = jnp.minimum(c2, NS1)
        var = idx2_v[pl.ds(0, L)]
        vbr = idx2_v[pl.ds(L, L)]
        f2 = jnp.min(jnp.minimum(jnp.where(lane < c2c, var, big),
                                 jnp.where(lane + L < c2c, vbr, big)))
        va = jnp.where(lane < c2c, var, f2)
        vb = jnp.where(lane + L < c2c, vbr, f2)

        bsel = lax.rem(i, 2)
        nsel = 1 - bsel

        @pl.when(i > 0)
        def _():
            rp = w * _ROWS_PER_W + i - 1
            pltpu.make_async_copy(
                g1_hbm.at[pl.ds(0, NS0)], rows1_v.at[nsel], sem).wait()
            pltpu.make_async_copy(
                g2_hbm.at[pl.ds(0, NS1)], rows2_v.at[nsel], sem).wait()
            pltpu.sync_copy(rows1_v.at[nsel], g1_hbm.at[pl.ds(rp * NS0, NS0)])
            pltpu.sync_copy(rows2_v.at[nsel], g2_hbm.at[pl.ds(rp * NS1, NS1)])

        pltpu.async_copy(table_hbm.at[v1], rows1_v.at[bsel], sem)
        pltpu.async_copy(table_hbm.at[va], rows2_v.at[bsel, pl.ds(0, L)], sem)
        pltpu.async_copy(table_hbm.at[vb], rows2_v.at[bsel, pl.ds(L, L)], sem)
        return carry

    lax.fori_loop(0, _ROWS_PER_W, row_body, jnp.int32(0))
    rl = w * _ROWS_PER_W + _ROWS_PER_W - 1
    blast = (_ROWS_PER_W - 1) % 2
    pltpu.make_async_copy(g1_hbm.at[pl.ds(0, NS0)], rows1_v.at[blast], sem).wait()
    pltpu.make_async_copy(g2_hbm.at[pl.ds(0, NS1)], rows2_v.at[blast], sem).wait()
    pltpu.sync_copy(rows1_v.at[blast], g1_hbm.at[pl.ds(rl * NS0, NS0)])
    pltpu.sync_copy(rows2_v.at[blast], g2_hbm.at[pl.ds(rl * NS1, NS1)])


def _ballq_gather(xbf, sqa, cbf, sqn, table):
    mesh = plsc.VectorSubcoreMesh(core_axis_name="c", subcore_axis_name="s")
    f = functools.partial(
        pl.kernel,
        mesh=mesh,
        out_type=[
            jax.ShapeDtypeStruct((B * NPOINT * NS0, FW), jnp.float32),
            jax.ShapeDtypeStruct((B * NPOINT * NS1, FW), jnp.float32),
        ],
        scratch_types=[
            pltpu.VMEM((N,), jnp.float32),
            pltpu.VMEM((N,), jnp.float32),
            pltpu.VMEM((N,), jnp.float32),
            pltpu.VMEM((N,), jnp.float32),
            pltpu.VMEM((_ROWS_PER_W,), jnp.float32),
            pltpu.VMEM((_ROWS_PER_W,), jnp.float32),
            pltpu.VMEM((_ROWS_PER_W,), jnp.float32),
            pltpu.VMEM((_ROWS_PER_W,), jnp.float32),
            pltpu.VMEM((NS0,), jnp.int32),
            pltpu.VMEM((NS1,), jnp.int32),
            pltpu.VMEM((2, NS0, FW), jnp.float32),
            pltpu.VMEM((2, NS1, FW), jnp.float32),
            pltpu.SemaphoreType.DMA,
        ],
        compiler_params=pltpu.CompilerParams(
            needs_layout_passes=False, use_tc_tiling_on_sc=False),
    )(_ballq_body)
    return f(xbf, sqa, cbf, sqn, table)




def _mlp_body(ns, g_ref, ctr_ref, w0_ref, w1_ref, w2_ref, o_ref):
    st = o_ref.shape[0]
    g = g_ref[...]
    cpad = jnp.concatenate(
        [jnp.zeros((st, C), jnp.float32), ctr_ref[...],
         jnp.zeros((st, FW - C - 3), jnp.float32)], axis=1)
    cr = jnp.broadcast_to(cpad[:, None, :], (st, ns, FW)).reshape(st * ns, FW)
    h = jnp.dot(g - cr, w0_ref[...], preferred_element_type=jnp.float32)
    h = jnp.maximum(h, 0.0)
    h = jnp.maximum(jnp.dot(h, w1_ref[...], preferred_element_type=jnp.float32), 0.0)
    h = jnp.maximum(jnp.dot(h, w2_ref[...], preferred_element_type=jnp.float32), 0.0)
    o_ref[...] = jnp.max(h.reshape(st, ns, h.shape[-1]), axis=1)


def _mlp(g, ctr, w0p, w1, w2, ns):
    rows_blk = 2048
    st = rows_blk // ns
    grid = (B * NPOINT) // st
    c1 = w0p.shape[1]
    c2 = w1.shape[1]
    c3 = w2.shape[1]
    return pl.pallas_call(
        functools.partial(_mlp_body, ns),
        grid=(grid,),
        in_specs=[
            pl.BlockSpec((rows_blk, FW), lambda i: (i, 0)),
            pl.BlockSpec((st, 3), lambda i: (i, 0)),
            pl.BlockSpec((FW, c1), lambda i: (0, 0)),
            pl.BlockSpec((c1, c2), lambda i: (0, 0)),
            pl.BlockSpec((c2, c3), lambda i: (0, 0)),
        ],
        out_specs=pl.BlockSpec((st, c3), lambda i: (i, 0)),
        out_shape=jax.ShapeDtypeStruct((B * NPOINT, c3), jnp.float32),
    )(g, ctr, w0p, w1, w2)




def _round_bf16(x):
    u = lax.bitcast_convert_type(x, jnp.uint32)
    r = (u + jnp.uint32(0x7FFF) + ((u >> 16) & jnp.uint32(1))) & jnp.uint32(0xFFFF0000)
    return lax.bitcast_convert_type(r, jnp.float32)


def kernel(xyz, points, w0_0, w0_1, w0_2, w1_0, w1_1, w1_2):
    xyzt = xyz.transpose(2, 0, 1)
    newxyzt, new_idx = _fps(xyzt)
    new_xyz = newxyzt.transpose(1, 2, 0)

    xyz_bf = _round_bf16(xyz)
    xbf = xyz_bf.transpose(2, 0, 1).reshape(-1)
    sqa = jnp.sum(xyz ** 2, axis=-1).reshape(-1)
    cbf = _round_bf16(newxyzt).reshape(-1)
    sqn = jnp.sum(new_xyz ** 2, axis=-1).reshape(-1)
    table = jnp.concatenate(
        [points, xyz, jnp.zeros((B, N, FW - C - 3), jnp.float32)], axis=-1
    ).reshape(B * N, FW)
    g1, g2 = _ballq_gather(xbf, sqa, cbf, sqn, table)

    ctr = new_xyz.reshape(B * NPOINT, 3)
    w0p_0 = jnp.concatenate(
        [w0_0, jnp.zeros((FW - C - 3, w0_0.shape[1]), jnp.float32)], axis=0)
    w0p_1 = jnp.concatenate(
        [w1_0, jnp.zeros((FW - C - 3, w1_0.shape[1]), jnp.float32)], axis=0)
    out0 = _mlp(g1, ctr, w0p_0, w0_1, w0_2, NS0)
    out1 = _mlp(g2, ctr, w0p_1, w1_1, w1_2, NS1)

    new_points = jnp.concatenate(
        [out0.reshape(B, NPOINT, -1), out1.reshape(B, NPOINT, -1)], axis=-1
    )
    return new_xyz, new_points, new_idx

# --- scband reference (transcript-rebuilt; emitter-appended) ---
"""Pipeline reference for scband-pointnet-samsg-52750788329674 (READ-ONLY COPY).

The authoritative reference and input builder live on the scoring server;
editing this copy changes nothing except your own understanding.
"""

import jax, jax.numpy as jnp
import numpy as np

B, N, C = 8, 2048, 32
NPOINT = 512
RADII = [0.2, 0.4]
NSAMPLES = [16, 32]
MLPS = [[32, 32, 64], [64, 64, 128]]


def farthest_point_sample(npoint, xyz):
    Bn, Nn, _ = xyz.shape
    dists0 = jnp.full((Bn, Nn), 1e10, dtype=xyz.dtype)
    farthest0 = jnp.zeros((Bn,), dtype=jnp.int32)
    idxs0 = jnp.zeros((Bn, npoint), dtype=jnp.int32)

    def body(i, state):
        dists, farthest, idxs = state
        idxs = idxs.at[:, i].set(farthest)
        centroid = jax.vmap(lambda p, f: p[f])(xyz, farthest)[:, None, :]
        d = jnp.sum((xyz - centroid) ** 2, axis=-1)
        dists = jnp.minimum(dists, d)
        farthest = jnp.argmax(dists, axis=-1).astype(jnp.int32)
        return (dists, farthest, idxs)

    _, _, idxs = jax.lax.fori_loop(0, npoint, body, (dists0, farthest0, idxs0))
    return idxs


def query_ball_point(radius, nsample, xyz, new_xyz):
    sq_new = jnp.sum(new_xyz ** 2, axis=-1)
    sq_all = jnp.sum(xyz ** 2, axis=-1)
    sqd = sq_new[:, :, None] + sq_all[:, None, :] - 2.0 * jnp.einsum('bsd,bnd->bsn', new_xyz, xyz)
    mask = sqd <= radius ** 2
    key = jnp.where(mask, 0, 1).astype(jnp.int32)
    order = jnp.argsort(key, axis=-1)  # stable: in-ball indices first, ascending index order
    idx = order[..., :nsample]
    cnt = jnp.minimum(jnp.sum(mask, axis=-1), nsample).astype(jnp.int32)
    valid = jnp.arange(nsample)[None, None, :] < cnt[:, :, None]
    idx = jnp.where(valid, idx, idx[..., :1])
    return idx.astype(jnp.int32), cnt


def group_point(points, idx):
    return jax.vmap(lambda p, i: p[i])(points, idx)


def setup_inputs(seed: int = 0):
    key = jax.random.key(seed)
    ks = jax.random.split(key, 10)
    xyz = jax.random.uniform(ks[0], (B, N, 3), dtype=jnp.float32)
    points = jax.random.normal(ks[1], (B, N, C), dtype=jnp.float32)
    inp = {"xyz": xyz, "points": points}
    kidx = 2
    for i, mlp in enumerate(MLPS):
        cin = C + 3  # use_xyz=True concatenates relative xyz
        for j, cout in enumerate(mlp):
            scale = np.sqrt(2.0 / (cin + cout)).astype(np.float32)
            inp[f"w{i}_{j}"] = jax.random.normal(ks[kidx], (cin, cout), dtype=jnp.float32) * scale
            kidx += 1
            cin = cout
    return inp


def _forward(xyz, points, weights):
    new_idx = farthest_point_sample(NPOINT, jax.lax.stop_gradient(xyz))
    new_xyz = jax.vmap(lambda p, i: p[i])(xyz, new_idx)
    outs = []
    for i in range(len(RADII)):
        idx, _cnt = query_ball_point(RADII[i], NSAMPLES[i], xyz, new_xyz)
        grouped_xyz = group_point(xyz, idx) - new_xyz[:, :, None, :]
        grouped_points = jnp.concatenate([group_point(points, idx), grouped_xyz], axis=-1)
        h = grouped_points
        for w in weights[i]:
            h = jax.nn.relu(jnp.einsum('bsnc,cd->bsnd', h, w))
        outs.append(jnp.max(h, axis=2))
    new_points_concat = jnp.concatenate(outs, axis=-1)
    return new_xyz, new_points_concat, new_idx


def reference(xyz, points, w0_0, w0_1, w0_2, w1_0, w1_1, w1_2):
    weights = [[w0_0, w0_1, w0_2], [w1_0, w1_1, w1_2]]
    return _forward(xyz, points, weights)

if __name__ == "__main__":
    import jax
    _d = setup_inputs()
    print(jax.jit(kernel)(*tuple(_d.values())))

</pallas_src>

<mosaic_0001>
#map = affine_map<(d0, d1) -> (0)>
#map1 = affine_map<(d0, d1) -> (0, 0)>
module attributes {stable_mosaic.version = 14 : i64} {
  func.func @_ballq_body(%arg0: i32, %arg1: i32, %arg2: memref<49152xf32, #tpu.memory_space<hbm>>, %arg3: memref<16384xf32, #tpu.memory_space<hbm>>, %arg4: memref<12288xf32, #tpu.memory_space<hbm>>, %arg5: memref<4096xf32, #tpu.memory_space<hbm>>, %arg6: memref<16384x48xf32, #tpu.memory_space<hbm>>, %arg7: memref<65536x48xf32, #tpu.memory_space<hbm>>, %arg8: memref<131072x48xf32, #tpu.memory_space<hbm>>, %arg9: memref<2048xf32, #tpu.memory_space<vmem>>, %arg10: memref<2048xf32, #tpu.memory_space<vmem>>, %arg11: memref<2048xf32, #tpu.memory_space<vmem>>, %arg12: memref<2048xf32, #tpu.memory_space<vmem>>, %arg13: memref<128xf32, #tpu.memory_space<vmem>>, %arg14: memref<128xf32, #tpu.memory_space<vmem>>, %arg15: memref<128xf32, #tpu.memory_space<vmem>>, %arg16: memref<128xf32, #tpu.memory_space<vmem>>, %arg17: memref<16xi32, #tpu.memory_space<vmem>>, %arg18: memref<32xi32, #tpu.memory_space<vmem>>, %arg19: memref<2x16x48xf32, #tpu.memory_space<vmem>>, %arg20: memref<2x32x48xf32, #tpu.memory_space<vmem>>, %arg21: memref<!tpu.dma_semaphore, #tpu.memory_space<semaphore_mem>>) attributes {dimension_semantics = [#tpu.dimension_semantics<core_parallel>, #tpu.dimension_semantics<subcore_parallel>], iteration_bounds = array<i64: 2, 16>, scalar_prefetch = 0 : i64, scratch_operands = 13 : i64, tpu.core_type = #tpu.core_type<sc_vector_subcore>, window_params = [{transform_indices = #map}, {transform_indices = #map}, {transform_indices = #map}, {transform_indices = #map}, {transform_indices = #map1}, {transform_indices = #map1}, {transform_indices = #map1}]} {
    %mul3A = arith.constant 2 : i32
    %mul3A_0 = arith.muli %arg1, %mul3A : i32
    %add3A = arith.addi %mul3A_0, %arg0 : i32
    %jit3A = arith.constant 4 : i32
    %div3A = arith.divsi %add3A, %jit3A : i32
    %sign3A = arith.constant 0 : i32
    %sign3A_1 = arith.cmpi sgt, %add3A, %sign3A : i32
    %sign3A_2 = arith.extui %sign3A_1 : i1 to i32
    %sign3A_3 = arith.constant 0 : i32
    %sign3A_4 = arith.cmpi slt, %add3A, %sign3A_3 : i32
    %sign3A_5 = arith.extui %sign3A_4 : i1 to i32
    %sign3A_6 = arith.subi %sign3A_2, %sign3A_5 : i32
    %sign3A_7 = arith.constant 0 : i32
    %sign3A_8 = arith.cmpi sgt, %jit3A, %sign3A_7 : i32
    %sign3A_9 = arith.extui %sign3A_8 : i1 to i32
    %sign3A_10 = arith.constant 0 : i32
    %sign3A_11 = arith.cmpi slt, %jit3A, %sign3A_10 : i32
    %sign3A_12 = arith.extui %sign3A_11 : i1 to i32
    %sign3A_13 = arith.subi %sign3A_9, %sign3A_12 : i32
    %ne3A = arith.cmpi ne, %sign3A_6, %sign3A_13 : i32
    %rem3A = arith.remsi %add3A, %jit3A : i32
    %ne3A_14 = arith.constant 0 : i32
    %ne3A_15 = arith.cmpi ne, %rem3A, %ne3A_14 : i32
    %and3A = arith.andi %ne3A, %ne3A_15 : i1
    %sub3A = arith.constant 1 : i32
    %sub3A_16 = arith.subi %div3A, %sub3A : i32
    %select_n3A = arith.select %and3A, %sub3A_16, %div3A : i32
    %jit3A_17 = arith.constant 4 : i32
    %eq3A = arith.constant 0 : i32
    %eq3A_18 = arith.cmpi eq, %jit3A_17, %eq3A : i32
    %jit3A_19 = arith.constant 1 : i32
    %select_n3A_20 = arith.select %eq3A_18, %jit3A_19, %jit3A_17 : i32
    %rem3A_21 = arith.remsi %add3A, %select_n3A_20 : i32
    %ne3A_22 = arith.constant 0 : i32
    %ne3A_23 = arith.cmpi ne, %rem3A_21, %ne3A_22 : i32
    %lt3A = arith.constant 0 : i32
    %lt3A_24 = arith.cmpi slt, %rem3A_21, %lt3A : i32
    %lt3A_25 = arith.constant 0 : i32
    %lt3A_26 = arith.cmpi slt, %select_n3A_20, %lt3A_25 : i32
    %ne3A_27 = arith.xori %lt3A_24, %lt3A_26 : i1
    %and3A_28 = arith.andi %ne3A_27, %ne3A_23 : i1
    %add3A_29 = arith.addi %rem3A_21, %select_n3A_20 : i32
    %select_n3A_30 = arith.select %and3A_28, %add3A_29, %rem3A_21 : i32
    %mul3A_31 = arith.constant 128 : i32
    %mul3A_32 = arith.muli %select_n3A_30, %mul3A_31 : i32
    %add3A_33 = arith.constant 0 : i32
    %add3A_34 = arith.addi %add3A_33, %select_n3A : i32
    %mul3A_35 = arith.constant 2048 : i32
    %mul3A_36 = arith.muli %add3A_34, %mul3A_35 : i32
    "tpu.region"() ({
      %run_scoped3A_112 = tpu.sem_alloc : memref<!tpu.dma_semaphore, #tpu.memory_space<semaphore_mem>>
      %dma_start3A = tpu.memref_slice %arg2[%mul3A_36] : memref<49152xf32, #tpu.memory_space<hbm>> -> memref<2048xf32, #tpu.memory_space<hbm>>
      %dma_start3A_113 = tpu.memref_slice %arg2[%mul3A_36] : memref<49152xf32, #tpu.memory_space<hbm>> -> memref<2048xf32, #tpu.memory_space<hbm>>
      tpu.enqueue_dma source(%dma_start3A_113 : memref<2048xf32, #tpu.memory_space<hbm>>) target(%arg9 : memref<2048xf32, #tpu.memory_space<vmem>>) target_semaphore(%run_scoped3A_112 : memref<!tpu.dma_semaphore, #tpu.memory_space<semaphore_mem>>)
      %dma_wait3A_114 = tpu.memref_slice %arg2[%mul3A_36] : memref<49152xf32, #tpu.memory_space<hbm>> -> memref<2048xf32, #tpu.memory_space<hbm>>
      %dma_wait3A_115 = tpu.memref_slice %arg2[%mul3A_36] : memref<49152xf32, #tpu.memory_space<hbm>> -> memref<2048xf32, #tpu.memory_space<hbm>>
      tpu.wait_dma2 semaphore(%run_scoped3A_112 : memref<!tpu.dma_semaphore, #tpu.memory_space<semaphore_mem>>) src(%dma_wait3A_115 : memref<2048xf32, #tpu.memory_space<hbm>>) dst(%arg9 : memref<2048xf32, #tpu.memory_space<vmem>>)
      tpu.yield
    }) : () -> ()
    %add3A_37 = arith.constant 8 : i32
    %add3A_38 = arith.addi %add3A_37, %select_n3A : i32
    %mul3A_39 = arith.constant 2048 : i32
    %mul3A_40 = arith.muli %add3A_38, %mul3A_39 : i32
    "tpu.region"() ({
      %run_scoped3A_112 = tpu.sem_alloc : memref<!tpu.dma_semaphore, #tpu.memory_space<semaphore_mem>>
      %dma_start3A = tpu.memref_slice %arg2[%mul3A_40] : memref<49152xf32, #tpu.memory_space<hbm>> -> memref<2048xf32, #tpu.memory_space<hbm>>
      %dma_start3A_113 = tpu.memref_slice %arg2[%mul3A_40] : memref<49152xf32, #tpu.memory_space<hbm>> -> memref<2048xf32, #tpu.memory_space<hbm>>
      tpu.enqueue_dma source(%dma_start3A_113 : memref<2048xf32, #tpu.memory_space<hbm>>) target(%arg10 : memref<2048xf32, #tpu.memory_space<vmem>>) target_semaphore(%run_scoped3A_112 : memref<!tpu.dma_semaphore, #tpu.memory_space<semaphore_mem>>)
      %dma_wait3A_114 = tpu.memref_slice %arg2[%mul3A_40] : memref<49152xf32, #tpu.memory_space<hbm>> -> memref<2048xf32, #tpu.memory_space<hbm>>
      %dma_wait3A_115 = tpu.memref_slice %arg2[%mul3A_40] : memref<49152xf32, #tpu.memory_space<hbm>> -> memref<2048xf32, #tpu.memory_space<hbm>>
      tpu.wait_dma2 semaphore(%run_scoped3A_112 : memref<!tpu.dma_semaphore, #tpu.memory_space<semaphore_mem>>) src(%dma_wait3A_115 : memref<2048xf32, #tpu.memory_space<hbm>>) dst(%arg10 : memref<2048xf32, #tpu.memory_space<vmem>>)
      tpu.yield
    }) : () -> ()
    %add3A_41 = arith.constant 16 : i32
    %add3A_42 = arith.addi %add3A_41, %select_n3A : i32
    %mul3A_43 = arith.constant 2048 : i32
    %mul3A_44 = arith.muli %add3A_42, %mul3A_43 : i32
    "tpu.region"() ({
      %run_scoped3A_112 = tpu.sem_alloc : memref<!tpu.dma_semaphore, #tpu.memory_space<semaphore_mem>>
      %dma_start3A = tpu.memref_slice %arg2[%mul3A_44] : memref<49152xf32, #tpu.memory_space<hbm>> -> memref<2048xf32, #tpu.memory_space<hbm>>
      %dma_start3A_113 = tpu.memref_slice %arg2[%mul3A_44] : memref<49152xf32, #tpu.memory_space<hbm>> -> memref<2048xf32, #tpu.memory_space<hbm>>
      tpu.enqueue_dma source(%dma_start3A_113 : memref<2048xf32, #tpu.memory_space<hbm>>) target(%arg11 : memref<2048xf32, #tpu.memory_space<vmem>>) target_semaphore(%run_scoped3A_112 : memref<!tpu.dma_semaphore, #tpu.memory_space<semaphore_mem>>)
      %dma_wait3A_114 = tpu.memref_slice %arg2[%mul3A_44] : memref<49152xf32, #tpu.memory_space<hbm>> -> memref<2048xf32, #tpu.memory_space<hbm>>
      %dma_wait3A_115 = tpu.memref_slice %arg2[%mul3A_44] : memref<49152xf32, #tpu.memory_space<hbm>> -> memref<2048xf32, #tpu.memory_space<hbm>>
      tpu.wait_dma2 semaphore(%run_scoped3A_112 : memref<!tpu.dma_semaphore, #tpu.memory_space<semaphore_mem>>) src(%dma_wait3A_115 : memref<2048xf32, #tpu.memory_space<hbm>>) dst(%arg11 : memref<2048xf32, #tpu.memory_space<vmem>>)
      tpu.yield
    }) : () -> ()
    %mul3A_45 = arith.constant 2048 : i32
    %mul3A_46 = arith.muli %select_n3A, %mul3A_45 : i32
    "tpu.region"() ({
      %run_scoped3A_112 = tpu.sem_alloc : memref<!tpu.dma_semaphore, #tpu.memory_space<semaphore_mem>>
      %dma_start3A = tpu.memref_slice %arg3[%mul3A_46] : memref<16384xf32, #tpu.memory_space<hbm>> -> memref<2048xf32, #tpu.memory_space<hbm>>
      %dma_start3A_113 = tpu.memref_slice %arg3[%mul3A_46] : memref<16384xf32, #tpu.memory_space<hbm>> -> memref<2048xf32, #tpu.memory_space<hbm>>
      tpu.enqueue_dma source(%dma_start3A_113 : memref<2048xf32, #tpu.memory_space<hbm>>) target(%arg12 : memref<2048xf32, #tpu.memory_space<vmem>>) target_semaphore(%run_scoped3A_112 : memref<!tpu.dma_semaphore, #tpu.memory_space<semaphore_mem>>)
      %dma_wait3A_114 = tpu.memref_slice %arg3[%mul3A_46] : memref<16384xf32, #tpu.memory_space<hbm>> -> memref<2048xf32, #tpu.memory_space<hbm>>
      %dma_wait3A_115 = tpu.memref_slice %arg3[%mul3A_46] : memref<16384xf32, #tpu.memory_space<hbm>> -> memref<2048xf32, #tpu.memory_space<hbm>>
      tpu.wait_dma2 semaphore(%run_scoped3A_112 : memref<!tpu.dma_semaphore, #tpu.memory_space<semaphore_mem>>) src(%dma_wait3A_115 : memref<2048xf32, #tpu.memory_space<hbm>>) dst(%arg12 : memref<2048xf32, #tpu.memory_space<vmem>>)
      tpu.yield
    }) : () -> ()
    %add3A_47 = arith.constant 0 : i32
    %add3A_48 = arith.addi %add3A_47, %select_n3A : i32
    %mul3A_49 = arith.constant 512 : i32
    %mul3A_50 = arith.muli %add3A_48, %mul3A_49 : i32
    %add3A_51 = arith.addi %mul3A_50, %mul3A_32 : i32
    "tpu.region"() ({
      %run_scoped3A_112 = tpu.sem_alloc : memref<!tpu.dma_semaphore, #tpu.memory_space<semaphore_mem>>
      %dma_start3A = tpu.memref_slice %arg4[%add3A_51] : memref<12288xf32, #tpu.memory_space<hbm>> -> memref<128xf32, #tpu.memory_space<hbm>>
      %dma_start3A_113 = tpu.memref_slice %arg4[%add3A_51] : memref<12288xf32, #tpu.memory_space<hbm>> -> memref<128xf32, #tpu.memory_space<hbm>>
      tpu.enqueue_dma source(%dma_start3A_113 : memref<128xf32, #tpu.memory_space<hbm>>) target(%arg13 : memref<128xf32, #tpu.memory_space<vmem>>) target_semaphore(%run_scoped3A_112 : memref<!tpu.dma_semaphore, #tpu.memory_space<semaphore_mem>>)
      %dma_wait3A_114 = tpu.memref_slice %arg4[%add3A_51] : memref<12288xf32, #tpu.memory_space<hbm>> -> memref<128xf32, #tpu.memory_space<hbm>>
      %dma_wait3A_115 = tpu.memref_slice %arg4[%add3A_51] : memref<12288xf32, #tpu.memory_space<hbm>> -> memref<128xf32, #tpu.memory_space<hbm>>
      tpu.wait_dma2 semaphore(%run_scoped3A_112 : memref<!tpu.dma_semaphore, #tpu.memory_space<semaphore_mem>>) src(%dma_wait3A_115 : memref<128xf32, #tpu.memory_space<hbm>>) dst(%arg13 : memref<128xf32, #tpu.memory_space<vmem>>)
      tpu.yield
    }) : () -> ()
    %add3A_52 = arith.constant 8 : i32
    %add3A_53 = arith.addi %add3A_52, %select_n3A : i32
    %mul3A_54 = arith.constant 512 : i32
    %mul3A_55 = arith.muli %add3A_53, %mul3A_54 : i32
    %add3A_56 = arith.addi %mul3A_55, %mul3A_32 : i32
    "tpu.region"() ({
      %run_scoped3A_112 = tpu.sem_alloc : memref<!tpu.dma_semaphore, #tpu.memory_space<semaphore_mem>>
      %dma_start3A = tpu.memref_slice %arg4[%add3A_56] : memref<12288xf32, #tpu.memory_space<hbm>> -> memref<128xf32, #tpu.memory_space<hbm>>
      %dma_start3A_113 = tpu.memref_slice %arg4[%add3A_56] : memref<12288xf32, #tpu.memory_space<hbm>> -> memref<128xf32, #tpu.memory_space<hbm>>
      tpu.enqueue_dma source(%dma_start3A_113 : memref<128xf32, #tpu.memory_space<hbm>>) target(%arg14 : memref<128xf32, #tpu.memory_space<vmem>>) target_semaphore(%run_scoped3A_112 : memref<!tpu.dma_semaphore, #tpu.memory_space<semaphore_mem>>)
      %dma_wait3A_114 = tpu.memref_slice %arg4[%add3A_56] : memref<12288xf32, #tpu.memory_space<hbm>> -> memref<128xf32, #tpu.memory_space<hbm>>
      %dma_wait3A_115 = tpu.memref_slice %arg4[%add3A_56] : memref<12288xf32, #tpu.memory_space<hbm>> -> memref<128xf32, #tpu.memory_space<hbm>>
      tpu.wait_dma2 semaphore(%run_scoped3A_112 : memref<!tpu.dma_semaphore, #tpu.memory_space<semaphore_mem>>) src(%dma_wait3A_115 : memref<128xf32, #tpu.memory_space<hbm>>) dst(%arg14 : memref<128xf32, #tpu.memory_space<vmem>>)
      tpu.yield
    }) : () -> ()
    %add3A_57 = arith.constant 16 : i32
    %add3A_58 = arith.addi %add3A_57, %select_n3A : i32
    %mul3A_59 = arith.constant 512 : i32
    %mul3A_60 = arith.muli %add3A_58, %mul3A_59 : i32
    %add3A_61 = arith.addi %mul3A_60, %mul3A_32 : i32
    "tpu.region"() ({
      %run_scoped3A_112 = tpu.sem_alloc : memref<!tpu.dma_semaphore, #tpu.memory_space<semaphore_mem>>
      %dma_start3A = tpu.memref_slice %arg4[%add3A_61] : memref<12288xf32, #tpu.memory_space<hbm>> -> memref<128xf32, #tpu.memory_space<hbm>>
      %dma_start3A_113 = tpu.memref_slice %arg4[%add3A_61] : memref<12288xf32, #tpu.memory_space<hbm>> -> memref<128xf32, #tpu.memory_space<hbm>>
      tpu.enqueue_dma source(%dma_start3A_113 : memref<128xf32, #tpu.memory_space<hbm>>) target(%arg15 : memref<128xf32, #tpu.memory_space<vmem>>) target_semaphore(%run_scoped3A_112 : memref<!tpu.dma_semaphore, #tpu.memory_space<semaphore_mem>>)
      %dma_wait3A_114 = tpu.memref_slice %arg4[%add3A_61] : memref<12288xf32, #tpu.memory_space<hbm>> -> memref<128xf32, #tpu.memory_space<hbm>>
      %dma_wait3A_115 = tpu.memref_slice %arg4[%add3A_61] : memref<12288xf32, #tpu.memory_space<hbm>> -> memref<128xf32, #tpu.memory_space<hbm>>
      tpu.wait_dma2 semaphore(%run_scoped3A_112 : memref<!tpu.dma_semaphore, #tpu.memory_space<semaphore_mem>>) src(%dma_wait3A_115 : memref<128xf32, #tpu.memory_space<hbm>>) dst(%arg15 : memref<128xf32, #tpu.memory_space<vmem>>)
      tpu.yield
    }) : () -> ()
    %mul3A_62 = arith.constant 512 : i32
    %mul3A_63 = arith.muli %select_n3A, %mul3A_62 : i32
    %add3A_64 = arith.addi %mul3A_63, %mul3A_32 : i32
    "tpu.region"() ({
      %run_scoped3A_112 = tpu.sem_alloc : memref<!tpu.dma_semaphore, #tpu.memory_space<semaphore_mem>>
      %dma_start3A = tpu.memref_slice %arg5[%add3A_64] : memref<4096xf32, #tpu.memory_space<hbm>> -> memref<128xf32, #tpu.memory_space<hbm>>
      %dma_start3A_113 = tpu.memref_slice %arg5[%add3A_64] : memref<4096xf32, #tpu.memory_space<hbm>> -> memref<128xf32, #tpu.memory_space<hbm>>
      tpu.enqueue_dma source(%dma_start3A_113 : memref<128xf32, #tpu.memory_space<hbm>>) target(%arg16 : memref<128xf32, #tpu.memory_space<vmem>>) target_semaphore(%run_scoped3A_112 : memref<!tpu.dma_semaphore, #tpu.memory_space<semaphore_mem>>)
      %dma_wait3A_114 = tpu.memref_slice %arg5[%add3A_64] : memref<4096xf32, #tpu.memory_space<hbm>> -> memref<128xf32, #tpu.memory_space<hbm>>
      %dma_wait3A_115 = tpu.memref_slice %arg5[%add3A_64] : memref<4096xf32, #tpu.memory_space<hbm>> -> memref<128xf32, #tpu.memory_space<hbm>>
      tpu.wait_dma2 semaphore(%run_scoped3A_112 : memref<!tpu.dma_semaphore, #tpu.memory_space<semaphore_mem>>) src(%dma_wait3A_115 : memref<128xf32, #tpu.memory_space<hbm>>) dst(%arg16 : memref<128xf32, #tpu.memory_space<vmem>>)
      tpu.yield
    }) : () -> ()
    %iota3A = tpu.iota {dimensions = array<i32: 0>} : vector<16xi32>
    %mul3A_65 = arith.constant 2048 : i32
    %mul3A_66 = arith.muli %select_n3A, %mul3A_65 : i32
    %scan3A = arith.constant 0 : i32
    %scan3A_67 = arith.constant 0 : i32
    %scan3A_68 = arith.constant 128 : i32
    %scan3A_69 = arith.addi %scan3A_67, %scan3A_68 : i32
    %scan3A_70 = arith.constant 1 : i32
    scf.for %scan3A_112 = %scan3A_67 to %scan3A_69 step %scan3A_70  : i32 {
      %broadcast_in_dim3A = vector.broadcast %scan3A_112 : i32 to vector<16xi32>
      %gather3A = tpu.vector_load_idx %arg13[%broadcast_in_dim3A] : memref<128xf32, #tpu.memory_space<vmem>>[vector<16xi32>], vector<16xf32>,
      %gather3A_113 = tpu.vector_load_idx %arg14[%broadcast_in_dim3A] : memref<128xf32, #tpu.memory_space<vmem>>[vector<16xi32>], vector<16xf32>,
      %gather3A_114 = tpu.vector_load_idx %arg15[%broadcast_in_dim3A] : memref<128xf32, #tpu.memory_space<vmem>>[vector<16xi32>], vector<16xf32>,
      %gather3A_115 = tpu.vector_load_idx %arg16[%broadcast_in_dim3A] : memref<128xf32, #tpu.memory_space<vmem>>[vector<16xi32>], vector<16xf32>,
      %broadcast_in_dim3A_116 = arith.constant 0 : i32
      %broadcast_in_dim3A_117 = vector.broadcast %broadcast_in_dim3A_116 : i32 to vector<16xi32>
      %while3A = arith.constant 0 : i32
      %while3A_118:3 = scf.while (%while3A_198 = %while3A, %while3A_199 = %broadcast_in_dim3A_117, %while3A_200 = %broadcast_in_dim3A_117) : (i32, vector<16xi32>, vector<16xi32>) -> (i32, vector<16xi32>, vector<16xi32>) {
        %lt3A_201 = arith.constant 128 : i32
        %lt3A_202 = arith.cmpi slt, %while3A_198, %lt3A_201 : i32
        %slice3A = vector.extract_strided_slice %while3A_199 {offsets = [0], sizes = [1], strides = [1]} : vector<16xi32> to vector<1xi32>
        %squeeze3A = vector.extract %slice3A[0] : i32 from vector<1xi32>
        %lt3A_203 = arith.constant 16 : i32
        %lt3A_204 = arith.cmpi slt, %squeeze3A, %lt3A_203 : i32
        %slice3A_205 = vector.extract_strided_slice %while3A_200 {offsets = [0], sizes = [1], strides = [1]} : vector<16xi32> to vector<1xi32>
        %squeeze3A_206 = vector.extract %slice3A_205[0] : i32 from vector<1xi32>
        %lt3A_207 = arith.constant 32 : i32
        %lt3A_208 = arith.cmpi slt, %squeeze3A_206, %lt3A_207 : i32
        %or3A = arith.ori %lt3A_204, %lt3A_208 : i1
        %and3A_209 = arith.andi %lt3A_202, %or3A : i1
        scf.condition(%and3A_209) %while3A_198, %while3A_199, %while3A_200 : i32, vector<16xi32>, vector<16xi32>
      } do {
      ^bb0(%while3A_198: i32, %while3A_199: vector<16xi32>, %while3A_200: vector<16xi32>):
        %mul3A_201 = arith.constant 16 : i32
        %mul3A_202 = arith.muli %while3A_198, %mul3A_201 : i32
        %get3A_203 = arith.index_cast %mul3A_202 : i32 to index
        %get3A_204 = tpu.vector_load %arg9[%get3A_203] {strides = array<i32>} : memref<2048xf32, #tpu.memory_space<vmem>>, vector<16xf32>,
        %mul3A_205 = arith.constant 16 : i32
        %mul3A_206 = arith.muli %while3A_198, %mul3A_205 : i32
        %get3A_207 = arith.index_cast %mul3A_206 : i32 to index
        %get3A_208 = tpu.vector_load %arg10[%get3A_207] {strides = array<i32>} : memref<2048xf32, #tpu.memory_space<vmem>>, vector<16xf32>,
        %mul3A_209 = arith.constant 16 : i32
        %mul3A_210 = arith.muli %while3A_198, %mul3A_209 : i32
        %get3A_211 = arith.index_cast %mul3A_210 : i32 to index
        %get3A_212 = tpu.vector_load %arg11[%get3A_211] {strides = array<i32>} : memref<2048xf32, #tpu.memory_space<vmem>>, vector<16xf32>,
        %mul3A_213 = arith.constant 16 : i32
        %mul3A_214 = arith.muli %while3A_198, %mul3A_213 : i32
        %get3A_215 = arith.index_cast %mul3A_214 : i32 to index
        %get3A_216 = tpu.vector_load %arg12[%get3A_215] {strides = array<i32>} : memref<2048xf32, #tpu.memory_space<vmem>>, vector<16xf32>,
        %mul3A_217 = arith.mulf %get3A_204, %gather3A : vector<16xf32>
        %mul3A_218 = arith.mulf %get3A_208, %gather3A_113 : vector<16xf32>
        %add3A_219 = arith.addf %mul3A_217, %mul3A_218 : vector<16xf32>
        %mul3A_220 = arith.mulf %get3A_212, %gather3A_114 : vector<16xf32>
        %add3A_221 = arith.addf %add3A_219, %mul3A_220 : vector<16xf32>
        %add3A_222 = arith.addf %gather3A_115, %get3A_216 : vector<16xf32>
        %mul3A_223 = arith.constant 2.000000e+00 : f32
        %mul3A_224 = vector.broadcast %mul3A_223 : f32 to vector<16xf32>
        %mul3A_225 = arith.mulf %mul3A_224, %add3A_221 : vector<16xf32>
        %sub3A_226 = arith.subf %add3A_222, %mul3A_225 : vector<16xf32>
        %mul3A_227 = arith.constant 16 : i32
        %mul3A_228 = arith.muli %while3A_198, %mul3A_227 : i32
        %add3A_229 = arith.addi %mul3A_66, %mul3A_228 : i32
        %add3A_230 = vector.broadcast %add3A_229 : i32 to vector<16xi32>
        %add3A_231 = arith.addi %add3A_230, %iota3A : vector<16xi32>
        %le3A = arith.constant 4.000000e-02 : f32
        %le3A_232 = vector.broadcast %le3A : f32 to vector<16xf32>
        %le3A_233 = arith.cmpf ole, %sub3A_226, %le3A_232 : vector<16xf32>
        %convert_element_type3A_234 = arith.extui %le3A_233 : vector<16xi1> to vector<16xi32>
        %broadcast_in_dim3A_235 = arith.constant true
        %broadcast_in_dim3A_236 = vector.broadcast %broadcast_in_dim3A_235 : i1 to vector<16xi1>
        %masked_cumsum3A = tpu.scan <sum>, %convert_element_type3A_234 masked %broadcast_in_dim3A_236 : vector<16xi32>, vector<16xi1> -> vector<16xi32>
        %add3A_237 = arith.addi %masked_cumsum3A, %while3A_199 : vector<16xi32>
        %sub3A_238 = arith.constant 1 : i32
        %sub3A_239 = vector.broadcast %sub3A_238 : i32 to vector<16xi32>
        %sub3A_240 = arith.subi %add3A_237, %sub3A_239 : vector<16xi32>
        %lt3A_241 = arith.constant 16 : i32
        %lt3A_242 = vector.broadcast %lt3A_241 : i32 to vector<16xi32>
        %lt3A_243 = arith.cmpi slt, %sub3A_240, %lt3A_242 : vector<16xi32>
        %and3A_244 = arith.andi %le3A_233, %lt3A_243 : vector<16xi1>
        tpu.vector_store_idx %arg17[%sub3A_240], %add3A_231 masked %and3A_244 : memref<16xi32, #tpu.memory_space<vmem>>[vector<16xi32>], vector<16xi32>, vector<16xi1>
        %all_reduce_population_count3A = tpu.all_reduce %le3A_233 {dim = 0 : i64, kind = #tpu.reduction_kind<sum>} : vector<16xi1> -> vector<16xi32>
        %add3A_245 = arith.addi %while3A_199, %all_reduce_population_count3A : vector<16xi32>
        %le3A_246 = arith.constant 1.600000e-01 : f32
        %le3A_247 = vector.broadcast %le3A_246 : f32 to vector<16xf32>
        %le3A_248 = arith.cmpf ole, %sub3A_226, %le3A_247 : vector<16xf32>
        %convert_element_type3A_249 = arith.extui %le3A_248 : vector<16xi1> to vector<16xi32>
        %broadcast_in_dim3A_250 = arith.constant true
        %broadcast_in_dim3A_251 = vector.broadcast %broadcast_in_dim3A_250 : i1 to vector<16xi1>
        %masked_cumsum3A_252 = tpu.scan <sum>, %convert_element_type3A_249 masked %broadcast_in_dim3A_251 : vector<16xi32>, vector<16xi1> -> vector<16xi32>
        %add3A_253 = arith.addi %masked_cumsum3A_252, %while3A_200 : vector<16xi32>
        %sub3A_254 = arith.constant 1 : i32
        %sub3A_255 = vector.broadcast %sub3A_254 : i32 to vector<16xi32>
        %sub3A_256 = arith.subi %add3A_253, %sub3A_255 : vector<16xi32>
        %lt3A_257 = arith.constant 32 : i32
        %lt3A_258 = vector.broadcast %lt3A_257 : i32 to vector<16xi32>
        %lt3A_259 = arith.cmpi slt, %sub3A_256, %lt3A_258 : vector<16xi32>
        %and3A_260 = arith.andi %le3A_248, %lt3A_259 : vector<16xi1>
        tpu.vector_store_idx %arg18[%sub3A_256], %add3A_231 masked %and3A_260 : memref<32xi32, #tpu.memory_space<vmem>>[vector<16xi32>], vector<16xi32>, vector<16xi1>
        %all_reduce_population_count3A_261 = tpu.all_reduce %le3A_248 {dim = 0 : i64, kind = #tpu.reduction_kind<sum>} : vector<16xi1> -> vector<16xi32>
        %add3A_262 = arith.addi %while3A_200, %all_reduce_population_count3A_261 : vector<16xi32>
        %add3A_263 = arith.constant 1 : i32
        %add3A_264 = arith.addi %while3A_198, %add3A_263 : i32
        scf.yield %add3A_264, %add3A_245, %add3A_262 : i32, vector<16xi32>, vector<16xi32>
      }
      %min3A = arith.constant 16 : i32
      %min3A_119 = vector.broadcast %min3A : i32 to vector<16xi32>
      %min3A_120 = arith.minsi %while3A_118#1, %min3A_119 : vector<16xi32>
      %get3A = arith.constant 0 : index
      %get3A_121 = tpu.vector_load %arg17[%get3A] {strides = array<i32>} : memref<16xi32, #tpu.memory_space<vmem>>, vector<16xi32>,
      %lt3A_122 = arith.cmpi slt, %iota3A, %min3A_120 : vector<16xi32>
      %jit3A_123 = arith.constant 2147483647 : i32
      %broadcast_in_dim3A_124 = vector.broadcast %jit3A_123 : i32 to vector<16xi32>
      %select_n3A_125 = arith.select %lt3A_122, %get3A_121, %broadcast_in_dim3A_124 : vector<16xi1>, vector<16xi32>
      %reduce_min3A = arith.constant true
      %reduce_min3A_126 = vector.broadcast %reduce_min3A : i1 to vector<16xi1>
      %reduce_min3A_127 = arith.constant -2147483648 : i32
      %reduce_min3A_128 = vector.broadcast %reduce_min3A_127 : i32 to vector<16xi32>
      %reduce_min3A_129 = arith.xori %select_n3A_125, %reduce_min3A_128 : vector<16xi32>
      %reduce_min3A_130 = tpu.scan <min>, %reduce_min3A_129 masked %reduce_min3A_126 : vector<16xi32>, vector<16xi1> -> vector<16xi32>
      %reduce_min3A_131 = arith.xori %reduce_min3A_130, %reduce_min3A_128 : vector<16xi32>
      %reduce_min3A_132 = vector.extract %reduce_min3A_131[15] : i32 from vector<16xi32>
      %lt3A_133 = arith.cmpi slt, %iota3A, %min3A_120 : vector<16xi32>
      %broadcast_in_dim3A_134 = vector.broadcast %reduce_min3A_132 : i32 to vector<16xi32>
      %select_n3A_135 = arith.select %lt3A_133, %get3A_121, %broadcast_in_dim3A_134 : vector<16xi1>, vector<16xi32>
      %min3A_136 = arith.constant 32 : i32
      %min3A_137 = vector.broadcast %min3A_136 : i32 to vector<16xi32>
      %min3A_138 = arith.minsi %while3A_118#2, %min3A_137 : vector<16xi32>
      %get3A_139 = arith.constant 0 : index
      %get3A_140 = tpu.vector_load %arg18[%get3A_139] {strides = array<i32>} : memref<32xi32, #tpu.memory_space<vmem>>, vector<16xi32>,
      %get3A_141 = arith.constant 16 : index
      %get3A_142 = tpu.vector_load %arg18[%get3A_141] {strides = array<i32>} : memref<32xi32, #tpu.memory_space<vmem>>, vector<16xi32>,
      %lt3A_143 = arith.cmpi slt, %iota3A, %min3A_138 : vector<16xi32>
      %jit3A_144 = arith.constant 2147483647 : i32
      %broadcast_in_dim3A_145 = vector.broadcast %jit3A_144 : i32 to vector<16xi32>
      %select_n3A_146 = arith.select %lt3A_143, %get3A_140, %broadcast_in_dim3A_145 : vector<16xi1>, vector<16xi32>
      %add3A_147 = arith.constant 16 : i32
      %add3A_148 = vector.broadcast %add3A_147 : i32 to vector<16xi32>
      %add3A_149 = arith.addi %iota3A, %add3A_148 : vector<16xi32>
      %lt3A_150 = arith.cmpi slt, %add3A_149, %min3A_138 : vector<16xi32>
      %jit3A_151 = arith.constant 2147483647 : i32
      %broadcast_in_dim3A_152 = vector.broadcast %jit3A_151 : i32 to vector<16xi32>
      %select_n3A_153 = arith.select %lt3A_150, %get3A_142, %broadcast_in_dim3A_152 : vector<16xi1>, vector<16xi32>
      %min3A_154 = arith.minsi %select_n3A_146, %select_n3A_153 : vector<16xi32>
      %reduce_min3A_155 = arith.constant true
      %reduce_min3A_156 = vector.broadcast %reduce_min3A_155 : i1 to vector<16xi1>
      %reduce_min3A_157 = arith.constant -2147483648 : i32
      %reduce_min3A_158 = vector.broadcast %reduce_min3A_157 : i32 to vector<16xi32>
      %reduce_min3A_159 = arith.xori %min3A_154, %reduce_min3A_158 : vector<16xi32>
      %reduce_min3A_160 = tpu.scan <min>, %reduce_min3A_159 masked %reduce_min3A_156 : vector<16xi32>, vector<16xi1> -> vector<16xi32>
      %reduce_min3A_161 = arith.xori %reduce_min3A_160, %reduce_min3A_158 : vector<16xi32>
      %reduce_min3A_162 = vector.extract %reduce_min3A_161[15] : i32 from vector<16xi32>
      %lt3A_163 = arith.cmpi slt, %iota3A, %min3A_138 : vector<16xi32>
      %broadcast_in_dim3A_164 = vector.broadcast %reduce_min3A_162 : i32 to vector<16xi32>
      %select_n3A_165 = arith.select %lt3A_163, %get3A_140, %broadcast_in_dim3A_164 : vector<16xi1>, vector<16xi32>
      %add3A_166 = arith.constant 16 : i32
      %add3A_167 = vector.broadcast %add3A_166 : i32 to vector<16xi32>
      %add3A_168 = arith.addi %iota3A, %add3A_167 : vector<16xi32>
      %lt3A_169 = arith.cmpi slt, %add3A_168, %min3A_138 : vector<16xi32>
      %broadcast_in_dim3A_170 = vector.broadcast %reduce_min3A_162 : i32 to vector<16xi32>
      %select_n3A_171 = arith.select %lt3A_169, %get3A_142, %broadcast_in_dim3A_170 : vector<16xi1>, vector<16xi32>
      %rem3A_172 = arith.constant 2 : i32
      %rem3A_173 = arith.remsi %scan3A_112, %rem3A_172 : i32
      %sub3A_174 = arith.constant 1 : i32
      %sub3A_175 = arith.subi %sub3A_174, %rem3A_173 : i32
      %gt3A = arith.constant 0 : i32
      %gt3A_176 = arith.cmpi sgt, %scan3A_112, %gt3A : i32
      %convert_element_type3A = arith.extui %gt3A_176 : i1 to i32
      %cond3A = arith.constant 0 : i32
      %cond3A_177 = arith.cmpi ne, %convert_element_type3A, %cond3A : i32
      scf.if %cond3A_177 {
        %mul3A_198 = arith.constant 128 : i32
        %mul3A_199 = arith.muli %add3A, %mul3A_198 : i32
        %add3A_200 = arith.addi %mul3A_199, %scan3A_112 : i32
        %sub3A_201 = arith.constant 1 : i32
        %sub3A_202 = arith.subi %add3A_200, %sub3A_201 : i32
        %dma_wait3A_203 = arith.constant 0 : i32
        %dma_wait3A_204 = arith.constant 0 : i32
        %dma_wait3A_205 = tpu.memref_slice %arg19[%sub3A_175, %dma_wait3A_203, %dma_wait3A_204] : memref<2x16x48xf32, #tpu.memory_space<vmem>> -> memref<1x16x48xf32, #tpu.memory_space<vmem>>
        %dma_wait3A_206 = tpu.memref_squeeze %dma_wait3A_205 : memref<1x16x48xf32, #tpu.memory_space<vmem>> -> memref<16x48xf32, #tpu.memory_space<vmem>>
        %dma_wait3A_207 = arith.constant 0 : i32
        %dma_wait3A_208 = arith.constant 0 : i32
        %dma_wait3A_209 = tpu.memref_slice %arg7[%dma_wait3A_207, %dma_wait3A_208] : memref<65536x48xf32, #tpu.memory_space<hbm>> -> memref<16x48xf32, #tpu.memory_space<hbm>>
        %dma_wait3A_210 = arith.constant 0 : i32
        %dma_wait3A_211 = arith.constant 0 : i32
        %dma_wait3A_212 = tpu.memref_slice %arg19[%sub3A_175, %dma_wait3A_210, %dma_wait3A_211] : memref<2x16x48xf32, #tpu.memory_space<vmem>> -> memref<1x16x48xf32, #tpu.memory_space<vmem>>
        %dma_wait3A_213 = tpu.memref_squeeze %dma_wait3A_212 : memref<1x16x48xf32, #tpu.memory_space<vmem>> -> memref<16x48xf32, #tpu.memory_space<vmem>>
        %dma_wait3A_214 = arith.constant 0 : i32
        %dma_wait3A_215 = arith.constant 0 : i32
        %dma_wait3A_216 = tpu.memref_slice %arg7[%dma_wait3A_214, %dma_wait3A_215] : memref<65536x48xf32, #tpu.memory_space<hbm>> -> memref<16x48xf32, #tpu.memory_space<hbm>>
        tpu.wait_dma2 semaphore(%arg21 : memref<!tpu.dma_semaphore, #tpu.memory_space<semaphore_mem>>) src(%dma_wait3A_216 : memref<16x48xf32, #tpu.memory_space<hbm>>) dst(%dma_wait3A_213 : memref<16x48xf32, #tpu.memory_space<vmem>>)
        %dma_wait3A_217 = arith.constant 0 : i32
        %dma_wait3A_218 = arith.constant 0 : i32
        %dma_wait3A_219 = tpu.memref_slice %arg20[%sub3A_175, %dma_wait3A_217, %dma_wait3A_218] : memref<2x32x48xf32, #tpu.memory_space<vmem>> -> memref<1x32x48xf32, #tpu.memory_space<vmem>>
        %dma_wait3A_220 = tpu.memref_squeeze %dma_wait3A_219 : memref<1x32x48xf32, #tpu.memory_space<vmem>> -> memref<32x48xf32, #tpu.memory_space<vmem>>
        %dma_wait3A_221 = arith.constant 0 : i32
        %dma_wait3A_222 = arith.constant 0 : i32
        %dma_wait3A_223 = tpu.memref_slice %arg8[%dma_wait3A_221, %dma_wait3A_222] : memref<131072x48xf32, #tpu.memory_space<hbm>> -> memref<32x48xf32, #tpu.memory_space<hbm>>
        %dma_wait3A_224 = arith.constant 0 : i32
        %dma_wait3A_225 = arith.constant 0 : i32
        %dma_wait3A_226 = tpu.memref_slice %arg20[%sub3A_175, %dma_wait3A_224, %dma_wait3A_225] : memref<2x32x48xf32, #tpu.memory_space<vmem>> -> memref<1x32x48xf32, #tpu.memory_space<vmem>>
        %dma_wait3A_227 = tpu.memref_squeeze %dma_wait3A_226 : memref<1x32x48xf32, #tpu.memory_space<vmem>> -> memref<32x48xf32, #tpu.memory_space<vmem>>
        %dma_wait3A_228 = arith.constant 0 : i32
        %dma_wait3A_229 = arith.constant 0 : i32
        %dma_wait3A_230 = tpu.memref_slice %arg8[%dma_wait3A_228, %dma_wait3A_229] : memref<131072x48xf32, #tpu.memory_space<hbm>> -> memref<32x48xf32, #tpu.memory_space<hbm>>
        tpu.wait_dma2 semaphore(%arg21 : memref<!tpu.dma_semaphore, #tpu.memory_space<semaphore_mem>>) src(%dma_wait3A_230 : memref<32x48xf32, #tpu.memory_space<hbm>>) dst(%dma_wait3A_227 : memref<32x48xf32, #tpu.memory_space<vmem>>)
        %mul3A_231 = arith.constant 16 : i32
        %mul3A_232 = arith.muli %sub3A_202, %mul3A_231 : i32
        "tpu.region"() ({
          %run_scoped3A_235 = tpu.sem_alloc : memref<!tpu.dma_semaphore, #tpu.memory_space<semaphore_mem>>
          %dma_start3A_236 = arith.constant 0 : i32
          %dma_start3A_237 = arith.constant 0 : i32
          %dma_start3A_238 = tpu.memref_slice %arg19[%sub3A_175, %dma_start3A_236, %dma_start3A_237] : memref<2x16x48xf32, #tpu.memory_space<vmem>> -> memref<1x16x48xf32, #tpu.memory_space<vmem>>
          %dma_start3A_239 = tpu.memref_squeeze %dma_start3A_238 : memref<1x16x48xf32, #tpu.memory_space<vmem>> -> memref<16x48xf32, #tpu.memory_space<vmem>>
          %dma_start3A_240 = arith.constant 0 : i32
          %dma_start3A_241 = tpu.memref_slice %arg7[%mul3A_232, %dma_start3A_240] : memref<65536x48xf32, #tpu.memory_space<hbm>> -> memref<16x48xf32, #tpu.memory_space<hbm>>
          %dma_start3A_242 = arith.constant 0 : i32
          %dma_start3A_243 = tpu.memref_slice %arg7[%mul3A_232, %dma_start3A_242] : memref<65536x48xf32, #tpu.memory_space<hbm>> -> memref<16x48xf32, #tpu.memory_space<hbm>>
          %dma_start3A_244 = arith.constant 0 : i32
          %dma_start3A_245 = arith.constant 0 : i32
          %dma_start3A_246 = tpu.memref_slice %arg19[%sub3A_175, %dma_start3A_244, %dma_start3A_245] : memref<2x16x48xf32, #tpu.memory_space<vmem>> -> memref<1x16x48xf32, #tpu.memory_space<vmem>>
          %dma_start3A_247 = tpu.memref_squeeze %dma_start3A_246 : memref<1x16x48xf32, #tpu.memory_space<vmem>> -> memref<16x48xf32, #tpu.memory_space<vmem>>
          tpu.enqueue_dma source(%dma_start3A_247 : memref<16x48xf32, #tpu.memory_space<vmem>>) target(%dma_start3A_243 : memref<16x48xf32, #tpu.memory_space<hbm>>) target_semaphore(%run_scoped3A_235 : memref<!tpu.dma_semaphore, #tpu.memory_space<semaphore_mem>>)
          %dma_wait3A_248 = arith.constant 0 : i32
          %dma_wait3A_249 = arith.constant 0 : i32
          %dma_wait3A_250 = tpu.memref_slice %arg19[%sub3A_175, %dma_wait3A_248, %dma_wait3A_249] : memref<2x16x48xf32, #tpu.memory_space<vmem>> -> memref<1x16x48xf32, #tpu.memory_space<vmem>>
          %dma_wait3A_251 = tpu.memref_squeeze %dma_wait3A_250 : memref<1x16x48xf32, #tpu.memory_space<vmem>> -> memref<16x48xf32, #tpu.memory_space<vmem>>
          %dma_wait3A_252 = arith.constant 0 : i32
          %dma_wait3A_253 = tpu.memref_slice %arg7[%mul3A_232, %dma_wait3A_252] : memref<65536x48xf32, #tpu.memory_space<hbm>> -> memref<16x48xf32, #tpu.memory_space<hbm>>
          %dma_wait3A_254 = arith.constant 0 : i32
          %dma_wait3A_255 = tpu.memref_slice %arg7[%mul3A_232, %dma_wait3A_254] : memref<65536x48xf32, #tpu.memory_space<hbm>> -> memref<16x48xf32, #tpu.memory_space<hbm>>
          %dma_wait3A_256 = arith.constant 0 : i32
          %dma_wait3A_257 = arith.constant 0 : i32
          %dma_wait3A_258 = tpu.memref_slice %arg19[%sub3A_175, %dma_wait3A_256, %dma_wait3A_257] : memref<2x16x48xf32, #tpu.memory_space<vmem>> -> memref<1x16x48xf32, #tpu.memory_space<vmem>>
          %dma_wait3A_259 = tpu.memref_squeeze %dma_wait3A_258 : memref<1x16x48xf32, #tpu.memory_space<vmem>> -> memref<16x48xf32, #tpu.memory_space<vmem>>
          tpu.wait_dma2 semaphore(%run_scoped3A_235 : memref<!tpu.dma_semaphore, #tpu.memory_space<semaphore_mem>>) src(%dma_wait3A_259 : memref<16x48xf32, #tpu.memory_space<vmem>>) dst(%dma_wait3A_255 : memref<16x48xf32, #tpu.memory_space<hbm>>)
          tpu.yield
        }) : () -> ()
        %mul3A_233 = arith.constant 32 : i32
        %mul3A_234 = arith.muli %sub3A_202, %mul3A_233 : i32
        "tpu.region"() ({
          %run_scoped3A_235 = tpu.sem_alloc : memref<!tpu.dma_semaphore, #tpu.memory_space<semaphore_mem>>
          %dma_start3A_236 = arith.constant 0 : i32
          %dma_start3A_237 = arith.constant 0 : i32
          %dma_start3A_238 = tpu.memref_slice %arg20[%sub3A_175, %dma_start3A_236, %dma_start3A_237] : memref<2x32x48xf32, #tpu.memory_space<vmem>> -> memref<1x32x48xf32, #tpu.memory_space<vmem>>
          %dma_start3A_239 = tpu.memref_squeeze %dma_start3A_238 : memref<1x32x48xf32, #tpu.memory_space<vmem>> -> memref<32x48xf32, #tpu.memory_space<vmem>>
          %dma_start3A_240 = arith.constant 0 : i32
          %dma_start3A_241 = tpu.memref_slice %arg8[%mul3A_234, %dma_start3A_240] : memref<131072x48xf32, #tpu.memory_space<hbm>> -> memref<32x48xf32, #tpu.memory_space<hbm>>
          %dma_start3A_242 = arith.constant 0 : i32
          %dma_start3A_243 = tpu.memref_slice %arg8[%mul3A_234, %dma_start3A_242] : memref<131072x48xf32, #tpu.memory_space<hbm>> -> memref<32x48xf32, #tpu.memory_space<hbm>>
          %dma_start3A_244 = arith.constant 0 : i32
          %dma_start3A_245 = arith.constant 0 : i32
          %dma_start3A_246 = tpu.memref_slice %arg20[%sub3A_175, %dma_start3A_244, %dma_start3A_245] : memref<2x32x48xf32, #tpu.memory_space<vmem>> -> memref<1x32x48xf32, #tpu.memory_space<vmem>>
          %dma_start3A_247 = tpu.memref_squeeze %dma_start3A_246 : memref<1x32x48xf32, #tpu.memory_space<vmem>> -> memref<32x48xf32, #tpu.memory_space<vmem>>
          tpu.enqueue_dma source(%dma_start3A_247 : memref<32x48xf32, #tpu.memory_space<vmem>>) target(%dma_start3A_243 : memref<32x48xf32, #tpu.memory_space<hbm>>) target_semaphore(%run_scoped3A_235 : memref<!tpu.dma_semaphore, #tpu.memory_space<semaphore_mem>>)
          %dma_wait3A_248 = arith.constant 0 : i32
          %dma_wait3A_249 = arith.constant 0 : i32
          %dma_wait3A_250 = tpu.memref_slice %arg20[%sub3A_175, %dma_wait3A_248, %dma_wait3A_249] : memref<2x32x48xf32, #tpu.memory_space<vmem>> -> memref<1x32x48xf32, #tpu.memory_space<vmem>>
          %dma_wait3A_251 = tpu.memref_squeeze %dma_wait3A_250 : memref<1x32x48xf32, #tpu.memory_space<vmem>> -> memref<32x48xf32, #tpu.memory_space<vmem>>
          %dma_wait3A_252 = arith.constant 0 : i32
          %dma_wait3A_253 = tpu.memref_slice %arg8[%mul3A_234, %dma_wait3A_252] : memref<131072x48xf32, #tpu.memory_space<hbm>> -> memref<32x48xf32, #tpu.memory_space<hbm>>
          %dma_wait3A_254 = arith.constant 0 : i32
          %dma_wait3A_255 = tpu.memref_slice %arg8[%mul3A_234, %dma_wait3A_254] : memref<131072x48xf32, #tpu.memory_space<hbm>> -> memref<32x48xf32, #tpu.memory_space<hbm>>
          %dma_wait3A_256 = arith.constant 0 : i32
          %dma_wait3A_257 = arith.constant 0 : i32
          %dma_wait3A_258 = tpu.memref_slice %arg20[%sub3A_175, %dma_wait3A_256, %dma_wait3A_257] : memref<2x32x48xf32, #tpu.memory_space<vmem>> -> memref<1x32x48xf32, #tpu.memory_space<vmem>>
          %dma_wait3A_259 = tpu.memref_squeeze %dma_wait3A_258 : memref<1x32x48xf32, #tpu.memory_space<vmem>> -> memref<32x48xf32, #tpu.memory_space<vmem>>
          tpu.wait_dma2 semaphore(%run_scoped3A_235 : memref<!tpu.dma_semaphore, #tpu.memory_space<semaphore_mem>>) src(%dma_wait3A_259 : memref<32x48xf32, #tpu.memory_space<vmem>>) dst(%dma_wait3A_255 : memref<32x48xf32, #tpu.memory_space<hbm>>)
          tpu.yield
        }) : () -> ()
      } else {
      }
      %dma_start3A = arith.constant 0 : i32
      %dma_start3A_178 = arith.constant 0 : i32
      %dma_start3A_179 = tpu.memref_slice %arg19[%rem3A_173, %dma_start3A, %dma_start3A_178] : memref<2x16x48xf32, #tpu.memory_space<vmem>> -> memref<1x16x48xf32, #tpu.memory_space<vmem>>
      %dma_start3A_180 = tpu.memref_squeeze %dma_start3A_179 : memref<1x16x48xf32, #tpu.memory_space<vmem>> -> memref<16x48xf32, #tpu.memory_space<vmem>>
      %dma_start3A_181 = arith.constant 0 : i32
      %dma_start3A_182 = arith.constant 0 : i32
      %dma_start3A_183 = tpu.memref_slice %arg6[%dma_start3A_181, %dma_start3A_182] : memref<16384x48xf32, #tpu.memory_space<hbm>> -> memref<16384x48xf32, #tpu.memory_space<hbm>>
      tpu.enqueue_indirect_dma source(%dma_start3A_183 : memref<16384x48xf32, #tpu.memory_space<hbm>>) target(%dma_start3A_180 : memref<16x48xf32, #tpu.memory_space<vmem>>) offsets(%select_n3A_135 : vector<16xi32>) semaphore(%arg21 : memref<!tpu.dma_semaphore, #tpu.memory_space<semaphore_mem>>)
      %dma_start3A_184 = arith.constant 0 : i32
      %dma_start3A_185 = arith.constant 0 : i32
      %dma_start3A_186 = tpu.memref_slice %arg20[%rem3A_173, %dma_start3A_184, %dma_start3A_185] : memref<2x32x48xf32, #tpu.memory_space<vmem>> -> memref<1x16x48xf32, #tpu.memory_space<vmem>>
      %dma_start3A_187 = tpu.memref_squeeze %dma_start3A_186 : memref<1x16x48xf32, #tpu.memory_space<vmem>> -> memref<16x48xf32, #tpu.memory_space<vmem>>
      %dma_start3A_188 = arith.constant 0 : i32
      %dma_start3A_189 = arith.constant 0 : i32
      %dma_start3A_190 = tpu.memref_slice %arg6[%dma_start3A_188, %dma_start3A_189] : memref<16384x48xf32, #tpu.memory_space<hbm>> -> memref<16384x48xf32, #tpu.memory_space<hbm>>
      tpu.enqueue_indirect_dma source(%dma_start3A_190 : memref<16384x48xf32, #tpu.memory_space<hbm>>) target(%dma_start3A_187 : memref<16x48xf32, #tpu.memory_space<vmem>>) offsets(%select_n3A_165 : vector<16xi32>) semaphore(%arg21 : memref<!tpu.dma_semaphore, #tpu.memory_space<semaphore_mem>>)
      %dma_start3A_191 = arith.constant 16 : i32
      %dma_start3A_192 = arith.constant 0 : i32
      %dma_start3A_193 = tpu.memref_slice %arg20[%rem3A_173, %dma_start3A_191, %dma_start3A_192] : memref<2x32x48xf32, #tpu.memory_space<vmem>> -> memref<1x16x48xf32, #tpu.memory_space<vmem>>
      %dma_start3A_194 = tpu.memref_squeeze %dma_start3A_193 : memref<1x16x48xf32, #tpu.memory_space<vmem>> -> memref<16x48xf32, #tpu.memory_space<vmem>>
      %dma_start3A_195 = arith.constant 0 : i32
      %dma_start3A_196 = arith.constant 0 : i32
      %dma_start3A_197 = tpu.memref_slice %arg6[%dma_start3A_195, %dma_start3A_196] : memref<16384x48xf32, #tpu.memory_space<hbm>> -> memref<16384x48xf32, #tpu.memory_space<hbm>>
      tpu.enqueue_indirect_dma source(%dma_start3A_197 : memref<16384x48xf32, #tpu.memory_space<hbm>>) target(%dma_start3A_194 : memref<16x48xf32, #tpu.memory_space<vmem>>) offsets(%select_n3A_171 : vector<16xi32>) semaphore(%arg21 : memref<!tpu.dma_semaphore, #tpu.memory_space<semaphore_mem>>)
    }
    %scan3A_71 = arith.constant 128 : i32
    %mul3A_72 = arith.constant 128 : i32
    %mul3A_73 = arith.muli %add3A, %mul3A_72 : i32
    %add3A_74 = arith.constant 128 : i32
    %add3A_75 = arith.addi %mul3A_73, %add3A_74 : i32
    %sub3A_76 = arith.constant 1 : i32
    %sub3A_77 = arith.subi %add3A_75, %sub3A_76 : i32
    %dma_wait3A = arith.constant 1 : i32
    %dma_wait3A_78 = arith.constant 0 : i32
    %dma_wait3A_79 = arith.constant 0 : i32
    %dma_wait3A_80 = tpu.memref_slice %arg19[%dma_wait3A, %dma_wait3A_78, %dma_wait3A_79] : memref<2x16x48xf32, #tpu.memory_space<vmem>> -> memref<1x16x48xf32, #tpu.memory_space<vmem>>
    %dma_wait3A_81 = tpu.memref_squeeze %dma_wait3A_80 : memref<1x16x48xf32, #tpu.memory_space<vmem>> -> memref<16x48xf32, #tpu.memory_space<vmem>>
    %dma_wait3A_82 = arith.constant 0 : i32
    %dma_wait3A_83 = arith.constant 0 : i32
    %dma_wait3A_84 = tpu.memref_slice %arg7[%dma_wait3A_82, %dma_wait3A_83] : memref<65536x48xf32, #tpu.memory_space<hbm>> -> memref<16x48xf32, #tpu.memory_space<hbm>>
    %dma_wait3A_85 = arith.constant 0 : i32
    %dma_wait3A_86 = arith.constant 0 : i32
    %dma_wait3A_87 = tpu.memref_slice %arg19[%dma_wait3A, %dma_wait3A_85, %dma_wait3A_86] : memref<2x16x48xf32, #tpu.memory_space<vmem>> -> memref<1x16x48xf32, #tpu.memory_space<vmem>>
    %dma_wait3A_88 = tpu.memref_squeeze %dma_wait3A_87 : memref<1x16x48xf32, #tpu.memory_space<vmem>> -> memref<16x48xf32, #tpu.memory_space<vmem>>
    %dma_wait3A_89 = arith.constant 0 : i32
    %dma_wait3A_90 = arith.constant 0 : i32
    %dma_wait3A_91 = tpu.memref_slice %arg7[%dma_wait3A_89, %dma_wait3A_90] : memref<65536x48xf32, #tpu.memory_space<hbm>> -> memref<16x48xf32, #tpu.memory_space<hbm>>
    tpu.wait_dma2 semaphore(%arg21 : memref<!tpu.dma_semaphore, #tpu.memory_space<semaphore_mem>>) src(%dma_wait3A_91 : memref<16x48xf32, #tpu.memory_space<hbm>>) dst(%dma_wait3A_88 : memref<16x48xf32, #tpu.memory_space<vmem>>)
    %dma_wait3A_92 = arith.constant 1 : i32
    %dma_wait3A_93 = arith.constant 0 : i32
    %dma_wait3A_94 = arith.constant 0 : i32
    %dma_wait3A_95 = tpu.memref_slice %arg20[%dma_wait3A_92, %dma_wait3A_93, %dma_wait3A_94] : memref<2x32x48xf32, #tpu.memory_space<vmem>> -> memref<1x32x48xf32, #tpu.memory_space<vmem>>
    %dma_wait3A_96 = tpu.memref_squeeze %dma_wait3A_95 : memref<1x32x48xf32, #tpu.memory_space<vmem>> -> memref<32x48xf32, #tpu.memory_space<vmem>>
    %dma_wait3A_97 = arith.constant 0 : i32
    %dma_wait3A_98 = arith.constant 0 : i32
    %dma_wait3A_99 = tpu.memref_slice %arg8[%dma_wait3A_97, %dma_wait3A_98] : memref<131072x48xf32, #tpu.memory_space<hbm>> -> memref<32x48xf32, #tpu.memory_space<hbm>>
    %dma_wait3A_100 = arith.constant 0 : i32
    %dma_wait3A_101 = arith.constant 0 : i32
    %dma_wait3A_102 = tpu.memref_slice %arg20[%dma_wait3A_92, %dma_wait3A_100, %dma_wait3A_101] : memref<2x32x48xf32, #tpu.memory_space<vmem>> -> memref<1x32x48xf32, #tpu.memory_space<vmem>>
    %dma_wait3A_103 = tpu.memref_squeeze %dma_wait3A_102 : memref<1x32x48xf32, #tpu.memory_space<vmem>> -> memref<32x48xf32, #tpu.memory_space<vmem>>
    %dma_wait3A_104 = arith.constant 0 : i32
    %dma_wait3A_105 = arith.constant 0 : i32
    %dma_wait3A_106 = tpu.memref_slice %arg8[%dma_wait3A_104, %dma_wait3A_105] : memref<131072x48xf32, #tpu.memory_space<hbm>> -> memref<32x48xf32, #tpu.memory_space<hbm>>
    tpu.wait_dma2 semaphore(%arg21 : memref<!tpu.dma_semaphore, #tpu.memory_space<semaphore_mem>>) src(%dma_wait3A_106 : memref<32x48xf32, #tpu.memory_space<hbm>>) dst(%dma_wait3A_103 : memref<32x48xf32, #tpu.memory_space<vmem>>)
    %mul3A_107 = arith.constant 16 : i32
    %mul3A_108 = arith.muli %sub3A_77, %mul3A_107 : i32
    %run_scoped3A = arith.constant 1 : i32
    "tpu.region"() ({
      %run_scoped3A_112 = tpu.sem_alloc : memref<!tpu.dma_semaphore, #tpu.memory_space<semaphore_mem>>
      %dma_start3A = arith.constant 0 : i32
      %dma_start3A_113 = arith.constant 0 : i32
      %dma_start3A_114 = tpu.memref_slice %arg19[%run_scoped3A, %dma_start3A, %dma_start3A_113] : memref<2x16x48xf32, #tpu.memory_space<vmem>> -> memref<1x16x48xf32, #tpu.memory_space<vmem>>
      %dma_start3A_115 = tpu.memref_squeeze %dma_start3A_114 : memref<1x16x48xf32, #tpu.memory_space<vmem>> -> memref<16x48xf32, #tpu.memory_space<vmem>>
      %dma_start3A_116 = arith.constant 0 : i32
      %dma_start3A_117 = tpu.memref_slice %arg7[%mul3A_108, %dma_start3A_116] : memref<65536x48xf32, #tpu.memory_space<hbm>> -> memref<16x48xf32, #tpu.memory_space<hbm>>
      %dma_start3A_118 = arith.constant 0 : i32
      %dma_start3A_119 = tpu.memref_slice %arg7[%mul3A_108, %dma_start3A_118] : memref<65536x48xf32, #tpu.memory_space<hbm>> -> memref<16x48xf32, #tpu.memory_space<hbm>>
      %dma_start3A_120 = arith.constant 0 : i32
      %dma_start3A_121 = arith.constant 0 : i32
      %dma_start3A_122 = tpu.memref_slice %arg19[%run_scoped3A, %dma_start3A_120, %dma_start3A_121] : memref<2x16x48xf32, #tpu.memory_space<vmem>> -> memref<1x16x48xf32, #tpu.memory_space<vmem>>
      %dma_start3A_123 = tpu.memref_squeeze %dma_start3A_122 : memref<1x16x48xf32, #tpu.memory_space<vmem>> -> memref<16x48xf32, #tpu.memory_space<vmem>>
      tpu.enqueue_dma source(%dma_start3A_123 : memref<16x48xf32, #tpu.memory_space<vmem>>) target(%dma_start3A_119 : memref<16x48xf32, #tpu.memory_space<hbm>>) target_semaphore(%run_scoped3A_112 : memref<!tpu.dma_semaphore, #tpu.memory_space<semaphore_mem>>)
      %dma_wait3A_124 = arith.constant 0 : i32
      %dma_wait3A_125 = arith.constant 0 : i32
      %dma_wait3A_126 = tpu.memref_slice %arg19[%run_scoped3A, %dma_wait3A_124, %dma_wait3A_125] : memref<2x16x48xf32, #tpu.memory_space<vmem>> -> memref<1x16x48xf32, #tpu.memory_space<vmem>>
      %dma_wait3A_127 = tpu.memref_squeeze %dma_wait3A_126 : memref<1x16x48xf32, #tpu.memory_space<vmem>> -> memref<16x48xf32, #tpu.memory_space<vmem>>
      %dma_wait3A_128 = arith.constant 0 : i32
      %dma_wait3A_129 = tpu.memref_slice %arg7[%mul3A_108, %dma_wait3A_128] : memref<65536x48xf32, #tpu.memory_space<hbm>> -> memref<16x48xf32, #tpu.memory_space<hbm>>
      %dma_wait3A_130 = arith.constant 0 : i32
      %dma_wait3A_131 = tpu.memref_slice %arg7[%mul3A_108, %dma_wait3A_130] : memref<65536x48xf32, #tpu.memory_space<hbm>> -> memref<16x48xf32, #tpu.memory_space<hbm>>
      %dma_wait3A_132 = arith.constant 0 : i32
      %dma_wait3A_133 = arith.constant 0 : i32
      %dma_wait3A_134 = tpu.memref_slice %arg19[%run_scoped3A, %dma_wait3A_132, %dma_wait3A_133] : memref<2x16x48xf32, #tpu.memory_space<vmem>> -> memref<1x16x48xf32, #tpu.memory_space<vmem>>
      %dma_wait3A_135 = tpu.memref_squeeze %dma_wait3A_134 : memref<1x16x48xf32, #tpu.memory_space<vmem>> -> memref<16x48xf32, #tpu.memory_space<vmem>>
      tpu.wait_dma2 semaphore(%run_scoped3A_112 : memref<!tpu.dma_semaphore, #tpu.memory_space<semaphore_mem>>) src(%dma_wait3A_135 : memref<16x48xf32, #tpu.memory_space<vmem>>) dst(%dma_wait3A_131 : memref<16x48xf32, #tpu.memory_space<hbm>>)
      tpu.yield
    }) : () -> ()
    %mul3A_109 = arith.constant 32 : i32
    %mul3A_110 = arith.muli %sub3A_77, %mul3A_109 : i32
    %run_scoped3A_111 = arith.constant 1 : i32
    "tpu.region"() ({
      %run_scoped3A_112 = tpu.sem_alloc : memref<!tpu.dma_semaphore, #tpu.memory_space<semaphore_mem>>
      %dma_start3A = arith.constant 0 : i32
      %dma_start3A_113 = arith.constant 0 : i32
      %dma_start3A_114 = tpu.memref_slice %arg20[%run_scoped3A_111, %dma_start3A, %dma_start3A_113] : memref<2x32x48xf32, #tpu.memory_space<vmem>> -> memref<1x32x48xf32, #tpu.memory_space<vmem>>
      %dma_start3A_115 = tpu.memref_squeeze %dma_start3A_114 : memref<1x32x48xf32, #tpu.memory_space<vmem>> -> memref<32x48xf32, #tpu.memory_space<vmem>>
      %dma_start3A_116 = arith.constant 0 : i32
      %dma_start3A_117 = tpu.memref_slice %arg8[%mul3A_110, %dma_start3A_116] : memref<131072x48xf32, #tpu.memory_space<hbm>> -> memref<32x48xf32, #tpu.memory_space<hbm>>
      %dma_start3A_118 = arith.constant 0 : i32
      %dma_start3A_119 = tpu.memref_slice %arg8[%mul3A_110, %dma_start3A_118] : memref<131072x48xf32, #tpu.memory_space<hbm>> -> memref<32x48xf32, #tpu.memory_space<hbm>>
      %dma_start3A_120 = arith.constant 0 : i32
      %dma_start3A_121 = arith.constant 0 : i32
      %dma_start3A_122 = tpu.memref_slice %arg20[%run_scoped3A_111, %dma_start3A_120, %dma_start3A_121] : memref<2x32x48xf32, #tpu.memory_space<vmem>> -> memref<1x32x48xf32, #tpu.memory_space<vmem>>
      %dma_start3A_123 = tpu.memref_squeeze %dma_start3A_122 : memref<1x32x48xf32, #tpu.memory_space<vmem>> -> memref<32x48xf32, #tpu.memory_space<vmem>>
      tpu.enqueue_dma source(%dma_start3A_123 : memref<32x48xf32, #tpu.memory_space<vmem>>) target(%dma_start3A_119 : memref<32x48xf32, #tpu.memory_space<hbm>>) target_semaphore(%run_scoped3A_112 : memref<!tpu.dma_semaphore, #tpu.memory_space<semaphore_mem>>)
      %dma_wait3A_124 = arith.constant 0 : i32
      %dma_wait3A_125 = arith.constant 0 : i32
      %dma_wait3A_126 = tpu.memref_slice %arg20[%run_scoped3A_111, %dma_wait3A_124, %dma_wait3A_125] : memref<2x32x48xf32, #tpu.memory_space<vmem>> -> memref<1x32x48xf32, #tpu.memory_space<vmem>>
      %dma_wait3A_127 = tpu.memref_squeeze %dma_wait3A_126 : memref<1x32x48xf32, #tpu.memory_space<vmem>> -> memref<32x48xf32, #tpu.memory_space<vmem>>
      %dma_wait3A_128 = arith.constant 0 : i32
      %dma_wait3A_129 = tpu.memref_slice %arg8[%mul3A_110, %dma_wait3A_128] : memref<131072x48xf32, #tpu.memory_space<hbm>> -> memref<32x48xf32, #tpu.memory_space<hbm>>
      %dma_wait3A_130 = arith.constant 0 : i32
      %dma_wait3A_131 = tpu.memref_slice %arg8[%mul3A_110, %dma_wait3A_130] : memref<131072x48xf32, #tpu.memory_space<hbm>> -> memref<32x48xf32, #tpu.memory_space<hbm>>
      %dma_wait3A_132 = arith.constant 0 : i32
      %dma_wait3A_133 = arith.constant 0 : i32
      %dma_wait3A_134 = tpu.memref_slice %arg20[%run_scoped3A_111, %dma_wait3A_132, %dma_wait3A_133] : memref<2x32x48xf32, #tpu.memory_space<vmem>> -> memref<1x32x48xf32, #tpu.memory_space<vmem>>
      %dma_wait3A_135 = tpu.memref_squeeze %dma_wait3A_134 : memref<1x32x48xf32, #tpu.memory_space<vmem>> -> memref<32x48xf32, #tpu.memory_space<vmem>>
      tpu.wait_dma2 semaphore(%run_scoped3A_112 : memref<!tpu.dma_semaphore, #tpu.memory_space<semaphore_mem>>) src(%dma_wait3A_135 : memref<32x48xf32, #tpu.memory_space<vmem>>) dst(%dma_wait3A_131 : memref<32x48xf32, #tpu.memory_space<hbm>>)
      tpu.yield
    }) : () -> ()
    return
  }
}

module attributes {stable_mosaic.version = 14 : i64} {
  func.func @_fps_body(%arg0: memref<3x8x2048xf32, #tpu.memory_space<vmem>>, %arg1: memref<3x8x512xf32, #tpu.memory_space<vmem>>, %arg2: memref<8x512xi32, #tpu.memory_space<vmem>>) attributes {dimension_semantics = [], scalar_prefetch = 0 : i64, scratch_operands = 0 : i64, tpu.core_type = #tpu.core_type<tc>} {
    %get3A = arith.constant 0 : index
    %get3A_0 = arith.constant 0 : index
    %get3A_1 = arith.constant 0 : index
    %get3A_2 = vector.load %arg0[%get3A, %get3A_0, %get3A_1] : memref<3x8x2048xf32, #tpu.memory_space<vmem>>, vector<1x8x2048xf32>
    %get3A_3 = vector.shape_cast %get3A_2 : vector<1x8x2048xf32> to vector<8x2048xf32>
    %get3A_4 = arith.constant 1 : index
    %get3A_5 = arith.constant 0 : index
    %get3A_6 = arith.constant 0 : index
    %get3A_7 = vector.load %arg0[%get3A_4, %get3A_5, %get3A_6] : memref<3x8x2048xf32, #tpu.memory_space<vmem>>, vector<1x8x2048xf32>
    %get3A_8 = vector.shape_cast %get3A_7 : vector<1x8x2048xf32> to vector<8x2048xf32>
    %get3A_9 = arith.constant 2 : index
    %get3A_10 = arith.constant 0 : index
    %get3A_11 = arith.constant 0 : index
    %get3A_12 = vector.load %arg0[%get3A_9, %get3A_10, %get3A_11] : memref<3x8x2048xf32, #tpu.memory_space<vmem>>, vector<1x8x2048xf32>
    %get3A_13 = vector.shape_cast %get3A_12 : vector<1x8x2048xf32> to vector<8x2048xf32>
    %iota3A = tpu.iota {dimensions = array<i32: 1>} : vector<8x2048xi32>
    %iota3A_14 = tpu.iota {dimensions = array<i32: 1>} : vector<8x512xi32>
    %broadcast_in_dim3A = arith.constant 1.000000e+10 : f32
    %broadcast_in_dim3A_15 = vector.broadcast %broadcast_in_dim3A : f32 to vector<8x2048xf32>
    %broadcast_in_dim3A_16 = arith.constant 0 : i32
    %broadcast_in_dim3A_17 = vector.broadcast %broadcast_in_dim3A_16 : i32 to vector<8x1xi32>
    %scan3A = arith.constant 0 : i32
    %scan3A_18 = arith.constant 512 : i32
    %scan3A_19 = arith.addi %scan3A, %scan3A_18 : i32
    %scan3A_20 = arith.constant 1 : i32
    %scan3A_21:2 = scf.for %scan3A_23 = %scan3A to %scan3A_19 step %scan3A_20 iter_args(%scan3A_24 = %broadcast_in_dim3A_15, %scan3A_25 = %broadcast_in_dim3A_17) -> (vector<8x2048xf32>, vector<8x1xi32>)  : i32 {
      %eq3A = vector.broadcast %scan3A_23 : i32 to vector<8x512xi32>
      %eq3A_26 = arith.cmpi eq, %iota3A_14, %eq3A : vector<8x512xi32>
      %get3A_27 = arith.constant 0 : index
      %get3A_28 = arith.constant 0 : index
      %get3A_29 = vector.load %arg2[%get3A_27, %get3A_28] : memref<8x512xi32, #tpu.memory_space<vmem>>, vector<8x512xi32>
      %broadcast_in_dim3A_30 = vector.shape_cast %scan3A_25 : vector<8x1xi32> to vector<8x1xi32>
      %broadcast_in_dim3A_31 = vector.broadcast %broadcast_in_dim3A_30 : vector<8x1xi32> to vector<8x512xi32>
      %select_n3A = arith.select %eq3A_26, %broadcast_in_dim3A_31, %get3A_29 : vector<8x512xi1>, vector<8x512xi32>
      %swap3A = arith.constant 0 : index
      %swap3A_32 = arith.constant 0 : index
      %swap3A_33 = vector.load %arg2[%swap3A, %swap3A_32] : memref<8x512xi32, #tpu.memory_space<vmem>>, vector<8x512xi32>
      tpu.vector_store %arg2[%swap3A, %swap3A_32], %select_n3A {strides = array<i32>} : memref<8x512xi32, #tpu.memory_space<vmem>>, vector<8x512xi32>,
      %eq3A_34 = vector.broadcast %scan3A_25 : vector<8x1xi32> to vector<8x2048xi32>
      %eq3A_35 = arith.cmpi eq, %iota3A, %eq3A_34 : vector<8x2048xi32>
      %jit3A = arith.constant 0.000000e+00 : f32
      %broadcast_in_dim3A_36 = vector.broadcast %jit3A : f32 to vector<8x2048xf32>
      %select_n3A_37 = arith.select %eq3A_35, %get3A_3, %broadcast_in_dim3A_36 : vector<8x2048xi1>, vector<8x2048xf32>
      %reduce_sum3A = arith.constant dense<0.000000e+00> : vector<8xf32>
      %reduce_sum3A_38 = vector.multi_reduction <add>, %select_n3A_37, %reduce_sum3A [1] : vector<8x2048xf32> to vector<8xf32>
      %broadcast_in_dim3A_39 = vector.shape_cast %reduce_sum3A_38 : vector<8xf32> to vector<8x1xf32>
      %jit3A_40 = arith.constant 0.000000e+00 : f32
      %broadcast_in_dim3A_41 = vector.broadcast %jit3A_40 : f32 to vector<8x2048xf32>
      %select_n3A_42 = arith.select %eq3A_35, %get3A_8, %broadcast_in_dim3A_41 : vector<8x2048xi1>, vector<8x2048xf32>
      %reduce_sum3A_43 = arith.constant dense<0.000000e+00> : vector<8xf32>
      %reduce_sum3A_44 = vector.multi_reduction <add>, %select_n3A_42, %reduce_sum3A_43 [1] : vector<8x2048xf32> to vector<8xf32>
      %broadcast_in_dim3A_45 = vector.shape_cast %reduce_sum3A_44 : vector<8xf32> to vector<8x1xf32>
      %jit3A_46 = arith.constant 0.000000e+00 : f32
      %broadcast_in_dim3A_47 = vector.broadcast %jit3A_46 : f32 to vector<8x2048xf32>
      %select_n3A_48 = arith.select %eq3A_35, %get3A_13, %broadcast_in_dim3A_47 : vector<8x2048xi1>, vector<8x2048xf32>
      %reduce_sum3A_49 = arith.constant dense<0.000000e+00> : vector<8xf32>
      %reduce_sum3A_50 = vector.multi_reduction <add>, %select_n3A_48, %reduce_sum3A_49 [1] : vector<8x2048xf32> to vector<8xf32>
      %broadcast_in_dim3A_51 = vector.shape_cast %reduce_sum3A_50 : vector<8xf32> to vector<8x1xf32>
      %get3A_52 = arith.constant 0 : index
      %get3A_53 = arith.constant 0 : index
      %get3A_54 = arith.constant 0 : index
      %get3A_55 = vector.load %arg1[%get3A_52, %get3A_53, %get3A_54] : memref<3x8x512xf32, #tpu.memory_space<vmem>>, vector<1x8x512xf32>
      %get3A_56 = vector.shape_cast %get3A_55 : vector<1x8x512xf32> to vector<8x512xf32>
      %broadcast_in_dim3A_57 = vector.shape_cast %broadcast_in_dim3A_39 : vector<8x1xf32> to vector<8x1xf32>
      %broadcast_in_dim3A_58 = vector.broadcast %broadcast_in_dim3A_57 : vector<8x1xf32> to vector<8x512xf32>
      %select_n3A_59 = arith.select %eq3A_26, %broadcast_in_dim3A_58, %get3A_56 : vector<8x512xi1>, vector<8x512xf32>
      %swap3A_60 = arith.constant 0 : index
      %swap3A_61 = arith.constant 0 : index
      %swap3A_62 = arith.constant 0 : index
      %swap3A_63 = vector.load %arg1[%swap3A_60, %swap3A_61, %swap3A_62] : memref<3x8x512xf32, #tpu.memory_space<vmem>>, vector<1x8x512xf32>
      %swap3A_64 = vector.shape_cast %swap3A_63 : vector<1x8x512xf32> to vector<8x512xf32>
      %swap3A_65 = vector.shape_cast %select_n3A_59 : vector<8x512xf32> to vector<1x8x512xf32>
      tpu.vector_store %arg1[%swap3A_60, %swap3A_61, %swap3A_62], %swap3A_65 {strides = array<i32>} : memref<3x8x512xf32, #tpu.memory_space<vmem>>, vector<1x8x512xf32>,
      %get3A_66 = arith.constant 1 : index
      %get3A_67 = arith.constant 0 : index
      %get3A_68 = arith.constant 0 : index
      %get3A_69 = vector.load %arg1[%get3A_66, %get3A_67, %get3A_68] : memref<3x8x512xf32, #tpu.memory_space<vmem>>, vector<1x8x512xf32>
      %get3A_70 = vector.shape_cast %get3A_69 : vector<1x8x512xf32> to vector<8x512xf32>
      %broadcast_in_dim3A_71 = vector.shape_cast %broadcast_in_dim3A_45 : vector<8x1xf32> to vector<8x1xf32>
      %broadcast_in_dim3A_72 = vector.broadcast %broadcast_in_dim3A_71 : vector<8x1xf32> to vector<8x512xf32>
      %select_n3A_73 = arith.select %eq3A_26, %broadcast_in_dim3A_72, %get3A_70 : vector<8x512xi1>, vector<8x512xf32>
      %swap3A_74 = arith.constant 1 : index
      %swap3A_75 = arith.constant 0 : index
      %swap3A_76 = arith.constant 0 : index
      %swap3A_77 = vector.load %arg1[%swap3A_74, %swap3A_75, %swap3A_76] : memref<3x8x512xf32, #tpu.memory_space<vmem>>, vector<1x8x512xf32>
      %swap3A_78 = vector.shape_cast %swap3A_77 : vector<1x8x512xf32> to vector<8x512xf32>
      %swap3A_79 = vector.shape_cast %select_n3A_73 : vector<8x512xf32> to vector<1x8x512xf32>
      tpu.vector_store %arg1[%swap3A_74, %swap3A_75, %swap3A_76], %swap3A_79 {strides = array<i32>} : memref<3x8x512xf32, #tpu.memory_space<vmem>>, vector<1x8x512xf32>,
      %get3A_80 = arith.constant 2 : index
      %get3A_81 = arith.constant 0 : index
      %get3A_82 = arith.constant 0 : index
      %get3A_83 = vector.load %arg1[%get3A_80, %get3A_81, %get3A_82] : memref<3x8x512xf32, #tpu.memory_space<vmem>>, vector<1x8x512xf32>
      %get3A_84 = vector.shape_cast %get3A_83 : vector<1x8x512xf32> to vector<8x512xf32>
      %broadcast_in_dim3A_85 = vector.shape_cast %broadcast_in_dim3A_51 : vector<8x1xf32> to vector<8x1xf32>
      %broadcast_in_dim3A_86 = vector.broadcast %broadcast_in_dim3A_85 : vector<8x1xf32> to vector<8x512xf32>
      %select_n3A_87 = arith.select %eq3A_26, %broadcast_in_dim3A_86, %get3A_84 : vector<8x512xi1>, vector<8x512xf32>
      %swap3A_88 = arith.constant 2 : index
      %swap3A_89 = arith.constant 0 : index
      %swap3A_90 = arith.constant 0 : index
      %swap3A_91 = vector.load %arg1[%swap3A_88, %swap3A_89, %swap3A_90] : memref<3x8x512xf32, #tpu.memory_space<vmem>>, vector<1x8x512xf32>
      %swap3A_92 = vector.shape_cast %swap3A_91 : vector<1x8x512xf32> to vector<8x512xf32>
      %swap3A_93 = vector.shape_cast %select_n3A_87 : vector<8x512xf32> to vector<1x8x512xf32>
      tpu.vector_store %arg1[%swap3A_88, %swap3A_89, %swap3A_90], %swap3A_93 {strides = array<i32>} : memref<3x8x512xf32, #tpu.memory_space<vmem>>, vector<1x8x512xf32>,
      %sub3A = vector.broadcast %broadcast_in_dim3A_39 : vector<8x1xf32> to vector<8x2048xf32>
      %sub3A_94 = arith.subf %get3A_3, %sub3A : vector<8x2048xf32>
      %sub3A_95 = vector.broadcast %broadcast_in_dim3A_45 : vector<8x1xf32> to vector<8x2048xf32>
      %sub3A_96 = arith.subf %get3A_8, %sub3A_95 : vector<8x2048xf32>
      %sub3A_97 = vector.broadcast %broadcast_in_dim3A_51 : vector<8x1xf32> to vector<8x2048xf32>
      %sub3A_98 = arith.subf %get3A_13, %sub3A_97 : vector<8x2048xf32>
      %mul3A = arith.mulf %sub3A_94, %sub3A_94 : vector<8x2048xf32>
      %mul3A_99 = arith.mulf %sub3A_96, %sub3A_96 : vector<8x2048xf32>
      %add3A = arith.addf %mul3A, %mul3A_99 : vector<8x2048xf32>
      %mul3A_100 = arith.mulf %sub3A_98, %sub3A_98 : vector<8x2048xf32>
      %add3A_101 = arith.addf %add3A, %mul3A_100 : vector<8x2048xf32>
      %min3A = arith.minimumf %scan3A_24, %add3A_101 : vector<8x2048xf32>
      %reduce_max3A = arith.constant dense<0xFF800000> : vector<8xf32>
      %reduce_max3A_102 = vector.multi_reduction <maximumf>, %min3A, %reduce_max3A [1] : vector<8x2048xf32> to vector<8xf32>
      %broadcast_in_dim3A_103 = vector.shape_cast %reduce_max3A_102 : vector<8xf32> to vector<8x1xf32>
      %eq3A_104 = vector.broadcast %broadcast_in_dim3A_103 : vector<8x1xf32> to vector<8x2048xf32>
      %eq3A_105 = arith.cmpf oeq, %min3A, %eq3A_104 : vector<8x2048xf32>
      %jit3A_106 = arith.constant 2048 : i32
      %broadcast_in_dim3A_107 = vector.broadcast %jit3A_106 : i32 to vector<8x2048xi32>
      %select_n3A_108 = arith.select %eq3A_105, %iota3A, %broadcast_in_dim3A_107 : vector<8x2048xi1>, vector<8x2048xi32>
      %reduce_min3A = arith.constant dense<2147483647> : vector<8xi32>
      %reduce_min3A_109 = vector.multi_reduction <minsi>, %select_n3A_108, %reduce_min3A [1] : vector<8x2048xi32> to vector<8xi32>
      %broadcast_in_dim3A_110 = vector.shape_cast %reduce_min3A_109 : vector<8xi32> to vector<8x1xi32>
      scf.yield %min3A, %broadcast_in_dim3A_110 : vector<8x2048xf32>, vector<8x1xi32>
    }
    %scan3A_22 = arith.constant 512 : i32
    return
  }
}

module attributes {stable_mosaic.version = 14 : i64} {
  func.func @_mlp_body(%arg0: i32, %arg1: memref<2048x48xf32, #tpu.memory_space<vmem>>, %arg2: memref<128x3xf32, #tpu.memory_space<vmem>>, %arg3: memref<48x32xf32, #tpu.memory_space<vmem>>, %arg4: memref<32x32xf32, #tpu.memory_space<vmem>>, %arg5: memref<32x64xf32, #tpu.memory_space<vmem>>, %arg6: memref<128x64xf32, #tpu.memory_space<vmem>>) attributes {dimension_semantics = [#tpu.dimension_semantics<arbitrary>], iteration_bounds = array<i64: 32>, scalar_prefetch = 0 : i64, scratch_operands = 0 : i64, tpu.core_type = #tpu.core_type<tc>, window_params = [{transform_indices = @transform_0, window_bounds = array<i64: 2048, 48>}, {transform_indices = @transform_1, window_bounds = array<i64: 128, 3>}, {pipeline_mode = #tpu.pipeline_mode<synchronous>, transform_indices = @transform_2, window_bounds = array<i64: 48, 32>}, {pipeline_mode = #tpu.pipeline_mode<synchronous>, transform_indices = @transform_3, window_bounds = array<i64: 32, 32>}, {pipeline_mode = #tpu.pipeline_mode<synchronous>, transform_indices = @transform_4, window_bounds = array<i64: 32, 64>}, {transform_indices = @transform_5, window_bounds = array<i64: 128, 64>}]} {
    %get3A = arith.constant 0 : index
    %get3A_0 = arith.constant 0 : index
    %get3A_1 = vector.load %arg1[%get3A, %get3A_0] : memref<2048x48xf32, #tpu.memory_space<vmem>>, vector<2048x48xf32>
    %broadcast_in_dim3A = arith.constant 0.000000e+00 : f32
    %broadcast_in_dim3A_2 = vector.broadcast %broadcast_in_dim3A : f32 to vector<128x32xf32>
    %get3A_3 = arith.constant 0 : index
    %get3A_4 = arith.constant 0 : index
    %get3A_5 = vector.load %arg2[%get3A_3, %get3A_4] : memref<128x3xf32, #tpu.memory_space<vmem>>, vector<128x3xf32>
    %broadcast_in_dim3A_6 = arith.constant 0.000000e+00 : f32
    %broadcast_in_dim3A_7 = vector.broadcast %broadcast_in_dim3A_6 : f32 to vector<128x13xf32>
    %concatenate3A = tpu.concatenate %broadcast_in_dim3A_2, %get3A_5, %broadcast_in_dim3A_7 in 1 : vector<128x32xf32>, vector<128x3xf32>, vector<128x13xf32> -> vector<128x48xf32>
    %broadcast_in_dim3A_8 = vector.shape_cast %concatenate3A : vector<128x48xf32> to vector<128x1x48xf32>
    %broadcast_in_dim3A_9 = vector.shape_cast %broadcast_in_dim3A_8 : vector<128x1x48xf32> to vector<128x1x48xf32>
    %broadcast_in_dim3A_10 = vector.broadcast %broadcast_in_dim3A_9 : vector<128x1x48xf32> to vector<128x16x48xf32>
    %reshape3A = vector.shape_cast %broadcast_in_dim3A_10 : vector<128x16x48xf32> to vector<2048x48xf32>
    %sub3A = arith.subf %get3A_1, %reshape3A : vector<2048x48xf32>
    %get3A_11 = arith.constant 0 : index
    %get3A_12 = arith.constant 0 : index
    %get3A_13 = vector.load %arg3[%get3A_11, %get3A_12] : memref<48x32xf32, #tpu.memory_space<vmem>>, vector<48x32xf32>
    %dot_general3A = arith.constant dense<0.000000e+00> : vector<2048x32xf32>
    %dot_general3A_14 = tpu.matmul %sub3A, %get3A_13, %dot_general3A {dimension_numbers = #tpu.dot_dimension_numbers<[1], [0], [0], [1], [0, 0, 1, 1], [], []>, transpose_lhs_hint = false} : vector<2048x48xf32>, vector<48x32xf32>, vector<2048x32xf32> -> vector<2048x32xf32>
    %max3A = arith.constant 0.000000e+00 : f32
    %max3A_15 = vector.broadcast %max3A : f32 to vector<2048x32xf32>
    %max3A_16 = arith.maximumf %dot_general3A_14, %max3A_15 : vector<2048x32xf32>
    %get3A_17 = arith.constant 0 : index
    %get3A_18 = arith.constant 0 : index
    %get3A_19 = vector.load %arg4[%get3A_17, %get3A_18] : memref<32x32xf32, #tpu.memory_space<vmem>>, vector<32x32xf32>
    %dot_general3A_20 = arith.constant dense<0.000000e+00> : vector<2048x32xf32>
    %dot_general3A_21 = tpu.matmul %max3A_16, %get3A_19, %dot_general3A_20 {dimension_numbers = #tpu.dot_dimension_numbers<[1], [0], [0], [1], [0, 0, 1, 1], [], []>, transpose_lhs_hint = false} : vector<2048x32xf32>, vector<32x32xf32>, vector<2048x32xf32> -> vector<2048x32xf32>
    %max3A_22 = arith.constant 0.000000e+00 : f32
    %max3A_23 = vector.broadcast %max3A_22 : f32 to vector<2048x32xf32>
    %max3A_24 = arith.maximumf %dot_general3A_21, %max3A_23 : vector<2048x32xf32>
    %get3A_25 = arith.constant 0 : index
    %get3A_26 = arith.constant 0 : index
    %get3A_27 = vector.load %arg5[%get3A_25, %get3A_26] : memref<32x64xf32, #tpu.memory_space<vmem>>, vector<32x64xf32>
    %dot_general3A_28 = arith.constant dense<0.000000e+00> : vector<2048x64xf32>
    %dot_general3A_29 = tpu.matmul %max3A_24, %get3A_27, %dot_general3A_28 {dimension_numbers = #tpu.dot_dimension_numbers<[1], [0], [0], [1], [0, 0, 1, 1], [], []>, transpose_lhs_hint = false} : vector<2048x32xf32>, vector<32x64xf32>, vector<2048x64xf32> -> vector<2048x64xf32>
    %max3A_30 = arith.constant 0.000000e+00 : f32
    %max3A_31 = vector.broadcast %max3A_30 : f32 to vector<2048x64xf32>
    %max3A_32 = arith.maximumf %dot_general3A_29, %max3A_31 : vector<2048x64xf32>
    %reshape3A_33 = vector.shape_cast %max3A_32 : vector<2048x64xf32> to vector<128x16x64xf32>
    %reduce_max3A = arith.constant dense<0xFF800000> : vector<128x64xf32>
    %reduce_max3A_34 = vector.multi_reduction <maximumf>, %reshape3A_33, %reduce_max3A [1] : vector<128x16x64xf32> to vector<128x64xf32>
    %swap3A = arith.constant 0 : index
    %swap3A_35 = arith.constant 0 : index
    %swap3A_36 = vector.load %arg6[%swap3A, %swap3A_35] : memref<128x64xf32, #tpu.memory_space<vmem>>, vector<128x64xf32>
    tpu.vector_store %arg6[%swap3A, %swap3A_35], %reduce_max3A_34 {strides = array<i32>} : memref<128x64xf32, #tpu.memory_space<vmem>>, vector<128x64xf32>,
    return
  }
  func.func @transform_0(%arg0: i32) -> (i32, i32) {
    %c0_i32 = arith.constant 0 : i32
    %c0_i32_0 = arith.constant 0 : i32
    return %arg0, %c0_i32 : i32, i32
  }
  func.func @transform_1(%arg0: i32) -> (i32, i32) {
    %c0_i32 = arith.constant 0 : i32
    %c0_i32_0 = arith.constant 0 : i32
    return %arg0, %c0_i32 : i32, i32
  }
  func.func @transform_2(%arg0: i32) -> (i32, i32) {
    %c0_i32 = arith.constant 0 : i32
    %c0_i32_0 = arith.constant 0 : i32
    %c0_i32_1 = arith.constant 0 : i32
    return %c0_i32, %c0_i32_0 : i32, i32
  }
  func.func @transform_3(%arg0: i32) -> (i32, i32) {
    %c0_i32 = arith.constant 0 : i32
    %c0_i32_0 = arith.constant 0 : i32
    %c0_i32_1 = arith.constant 0 : i32
    return %c0_i32, %c0_i32_0 : i32, i32
  }
  func.func @transform_4(%arg0: i32) -> (i32, i32) {
    %c0_i32 = arith.constant 0 : i32
    %c0_i32_0 = arith.constant 0 : i32
    %c0_i32_1 = arith.constant 0 : i32
    return %c0_i32, %c0_i32_0 : i32, i32
  }
  func.func @transform_5(%arg0: i32) -> (i32, i32) {
    %c0_i32 = arith.constant 0 : i32
    %c0_i32_0 = arith.constant 0 : i32
    return %arg0, %c0_i32 : i32, i32
  }
}

module attributes {stable_mosaic.version = 14 : i64} {
  func.func @_mlp_body(%arg0: i32, %arg1: memref<2048x48xf32, #tpu.memory_space<vmem>>, %arg2: memref<64x3xf32, #tpu.memory_space<vmem>>, %arg3: memref<48x64xf32, #tpu.memory_space<vmem>>, %arg4: memref<64x64xf32, #tpu.memory_space<vmem>>, %arg5: memref<64x128xf32, #tpu.memory_space<vmem>>, %arg6: memref<64x128xf32, #tpu.memory_space<vmem>>) attributes {dimension_semantics = [#tpu.dimension_semantics<arbitrary>], iteration_bounds = array<i64: 64>, scalar_prefetch = 0 : i64, scratch_operands = 0 : i64, tpu.core_type = #tpu.core_type<tc>, window_params = [{transform_indices = @transform_0, window_bounds = array<i64: 2048, 48>}, {transform_indices = @transform_1, window_bounds = array<i64: 64, 3>}, {pipeline_mode = #tpu.pipeline_mode<synchronous>, transform_indices = @transform_2, window_bounds = array<i64: 48, 64>}, {pipeline_mode = #tpu.pipeline_mode<synchronous>, transform_indices = @transform_3, window_bounds = array<i64: 64, 64>}, {pipeline_mode = #tpu.pipeline_mode<synchronous>, transform_indices = @transform_4, window_bounds = array<i64: 64, 128>}, {transform_indices = @transform_5, window_bounds = array<i64: 64, 128>}]} {
    %get3A = arith.constant 0 : index
    %get3A_0 = arith.constant 0 : index
    %get3A_1 = vector.load %arg1[%get3A, %get3A_0] : memref<2048x48xf32, #tpu.memory_space<vmem>>, vector<2048x48xf32>
    %broadcast_in_dim3A = arith.constant 0.000000e+00 : f32
    %broadcast_in_dim3A_2 = vector.broadcast %broadcast_in_dim3A : f32 to vector<64x32xf32>
    %get3A_3 = arith.constant 0 : index
    %get3A_4 = arith.constant 0 : index
    %get3A_5 = vector.load %arg2[%get3A_3, %get3A_4] : memref<64x3xf32, #tpu.memory_space<vmem>>, vector<64x3xf32>
    %broadcast_in_dim3A_6 = arith.constant 0.000000e+00 : f32
    %broadcast_in_dim3A_7 = vector.broadcast %broadcast_in_dim3A_6 : f32 to vector<64x13xf32>
    %concatenate3A = tpu.concatenate %broadcast_in_dim3A_2, %get3A_5, %broadcast_in_dim3A_7 in 1 : vector<64x32xf32>, vector<64x3xf32>, vector<64x13xf32> -> vector<64x48xf32>
    %broadcast_in_dim3A_8 = vector.shape_cast %concatenate3A : vector<64x48xf32> to vector<64x1x48xf32>
    %broadcast_in_dim3A_9 = vector.shape_cast %broadcast_in_dim3A_8 : vector<64x1x48xf32> to vector<64x1x48xf32>
    %broadcast_in_dim3A_10 = vector.broadcast %broadcast_in_dim3A_9 : vector<64x1x48xf32> to vector<64x32x48xf32>
    %reshape3A = vector.shape_cast %broadcast_in_dim3A_10 : vector<64x32x48xf32> to vector<2048x48xf32>
    %sub3A = arith.subf %get3A_1, %reshape3A : vector<2048x48xf32>
    %get3A_11 = arith.constant 0 : index
    %get3A_12 = arith.constant 0 : index
    %get3A_13 = vector.load %arg3[%get3A_11, %get3A_12] : memref<48x64xf32, #tpu.memory_space<vmem>>, vector<48x64xf32>
    %dot_general3A = arith.constant dense<0.000000e+00> : vector<2048x64xf32>
    %dot_general3A_14 = tpu.matmul %sub3A, %get3A_13, %dot_general3A {dimension_numbers = #tpu.dot_dimension_numbers<[1], [0], [0], [1], [0, 0, 1, 1], [], []>, transpose_lhs_hint = false} : vector<2048x48xf32>, vector<48x64xf32>, vector<2048x64xf32> -> vector<2048x64xf32>
    %max3A = arith.constant 0.000000e+00 : f32
    %max3A_15 = vector.broadcast %max3A : f32 to vector<2048x64xf32>
    %max3A_16 = arith.maximumf %dot_general3A_14, %max3A_15 : vector<2048x64xf32>
    %get3A_17 = arith.constant 0 : index
    %get3A_18 = arith.constant 0 : index
    %get3A_19 = vector.load %arg4[%get3A_17, %get3A_18] : memref<64x64xf32, #tpu.memory_space<vmem>>, vector<64x64xf32>
    %dot_general3A_20 = arith.constant dense<0.000000e+00> : vector<2048x64xf32>
    %dot_general3A_21 = tpu.matmul %max3A_16, %get3A_19, %dot_general3A_20 {dimension_numbers = #tpu.dot_dimension_numbers<[1], [0], [0], [1], [0, 0, 1, 1], [], []>, transpose_lhs_hint = false} : vector<2048x64xf32>, vector<64x64xf32>, vector<2048x64xf32> -> vector<2048x64xf32>
    %max3A_22 = arith.constant 0.000000e+00 : f32
    %max3A_23 = vector.broadcast %max3A_22 : f32 to vector<2048x64xf32>
    %max3A_24 = arith.maximumf %dot_general3A_21, %max3A_23 : vector<2048x64xf32>
    %get3A_25 = arith.constant 0 : index
    %get3A_26 = arith.constant 0 : index
    %get3A_27 = vector.load %arg5[%get3A_25, %get3A_26] : memref<64x128xf32, #tpu.memory_space<vmem>>, vector<64x128xf32>
    %dot_general3A_28 = arith.constant dense<0.000000e+00> : vector<2048x128xf32>
    %dot_general3A_29 = tpu.matmul %max3A_24, %get3A_27, %dot_general3A_28 {dimension_numbers = #tpu.dot_dimension_numbers<[1], [0], [0], [1], [0, 0, 1, 1], [], []>, transpose_lhs_hint = false} : vector<2048x64xf32>, vector<64x128xf32>, vector<2048x128xf32> -> vector<2048x128xf32>
    %max3A_30 = arith.constant 0.000000e+00 : f32
    %max3A_31 = vector.broadcast %max3A_30 : f32 to vector<2048x128xf32>
    %max3A_32 = arith.maximumf %dot_general3A_29, %max3A_31 : vector<2048x128xf32>
    %reshape3A_33 = vector.shape_cast %max3A_32 : vector<2048x128xf32> to vector<64x32x128xf32>
    %reduce_max3A = arith.constant dense<0xFF800000> : vector<64x128xf32>
    %reduce_max3A_34 = vector.multi_reduction <maximumf>, %reshape3A_33, %reduce_max3A [1] : vector<64x32x128xf32> to vector<64x128xf32>
    %swap3A = arith.constant 0 : index
    %swap3A_35 = arith.constant 0 : index
    %swap3A_36 = vector.load %arg6[%swap3A, %swap3A_35] : memref<64x128xf32, #tpu.memory_space<vmem>>, vector<64x128xf32>
    tpu.vector_store %arg6[%swap3A, %swap3A_35], %reduce_max3A_34 {strides = array<i32>} : memref<64x128xf32, #tpu.memory_space<vmem>>, vector<64x128xf32>,
    return
  }
  func.func @transform_0(%arg0: i32) -> (i32, i32) {
    %c0_i32 = arith.constant 0 : i32
    %c0_i32_0 = arith.constant 0 : i32
    return %arg0, %c0_i32 : i32, i32
  }
  func.func @transform_1(%arg0: i32) -> (i32, i32) {
    %c0_i32 = arith.constant 0 : i32
    %c0_i32_0 = arith.constant 0 : i32
    return %arg0, %c0_i32 : i32, i32
  }
  func.func @transform_2(%arg0: i32) -> (i32, i32) {
    %c0_i32 = arith.constant 0 : i32
    %c0_i32_0 = arith.constant 0 : i32
    %c0_i32_1 = arith.constant 0 : i32
    return %c0_i32, %c0_i32_0 : i32, i32
  }
  func.func @transform_3(%arg0: i32) -> (i32, i32) {
    %c0_i32 = arith.constant 0 : i32
    %c0_i32_0 = arith.constant 0 : i32
    %c0_i32_1 = arith.constant 0 : i32
    return %c0_i32, %c0_i32_0 : i32, i32
  }
  func.func @transform_4(%arg0: i32) -> (i32, i32) {
    %c0_i32 = arith.constant 0 : i32
    %c0_i32_0 = arith.constant 0 : i32
    %c0_i32_1 = arith.constant 0 : i32
    return %c0_i32, %c0_i32_0 : i32, i32
  }
  func.func @transform_5(%arg0: i32) -> (i32, i32) {
    %c0_i32 = arith.constant 0 : i32
    %c0_i32_0 = arith.constant 0 : i32
    return %arg0, %c0_i32 : i32, i32
  }
}

</mosaic_0001>

<sc_bundles>
// kernel: kernel.6.cloned.1.call-start
scs
__scs_entry_jumppad:
0x0: {  	(pc) =	sbr.rel $0x88, $3  }
0x1: {  	(tag) =	ssettag $0x0;
	lr =	simm.s32 $0x1  }
0x2: {  	[smem:$0x3F99] =	sst lr;
	_ =	strace $0xD0000000  }
0x3: {  	_ = 	snop  }
0x4: {  	_ = 	snop  }
0x5: {  	_ = 	snop  }
0x6: {  	_ = 	snop  }
0x7: {  	_ = 	snop  }
__scs_overlays_trampoline_lowered:
0x8: {  	[smem:$0x3FA8] =	sst s0  }
0x9: {  	[smem:$0x3FA9] =	sst s1  }
0xa: {  	[smem:$0x3FAA] =	sst s2  }
0xb: {  	[smem:$0x3FAB] =	sst s3  }
0xc: {  	[smem:$0x3FAC] =	sst s4  }
0xd: {  	[smem:$0x3FAD] =	sst s5  }
0xe: {  	[smem:$0x3FAE] =	sst s6  }
0xf: {  	[smem:$0x3FAF] =	sst s7  }
0x10: {  	[smem:$0x3FB0] =	sst s8  }
0x11: {  	[smem:$0x3FB1] =	sst s9;
	s0 =	simm.s32 @!p0 $0x0  }
0x12: {  	s1 =	sld [smem:$0x3F97];
	s0 =	simm.s32 @p0 $0x1  }
0x13: {  	[smem:$0x3FB2] =	sst s0;
	s0 =	simm.s32 @!p1 $0x0  }
0x14: {  	s2 =	sld [smem:$0x3F96];
	s0 =	simm.s32 @p1 $0x1  }
0x15: {  	[smem:$0x3FB3] =	sst s0;
	s0 =	simm.s32 @!p2 $0x0  }
0x16: {  	s3 =	sld [smem:$0x3FDB];
	s0 =	simm.s32 @p2 $0x1  }
0x17: {  	s4 =	simm.s32 $0x1BF5;
	[smem:$0x3FB5] =	sst s0  }
0x18: {  	s0 =	sld [smem:$0x3F98];
	_ =	swait.ge [sflag:s4], $0x0  }
0x19: {  	s7 =	sld [smem:$0x3F99]  }
0x1a: {  	s8 =	sadd.s32 $0xFFFFE003, lr  }
0x1b: {  	s9 =	sadd.s32 $0xFFFFFEF7, lr;
	s5 =	simm.s32 $0xFFFFFFFF;
	p2 =	slt.u32 s8, $0xFFFFF086  }
0x1c: {  	p1 =	slt.u32 s9, $0xF7A;
	s5 =	simm.s32 @!p2 $0x0  }
0x1d: {  	s5 =	simm.s32 @p1 $0x1;
	p0 =	seq.s32 s7, s2  }
0x1e: {  	s7 =	smul.u32 @!p0 $0xF7A, s2;
	p2 =	seq.s32 @!p0 s5, $0x0  }
0x1f: {  	s9 =	smul.u32 $0xF7A, s1;
	s8 =	simm.s32 @!p0 $0x1BF5;
	p2 =	por !p2, p0  }
0x20: {  	[sflag:s8] =	ssyncset.s32 @!p0 $0xFFFFF086;
	s6 =	sadd.s32 @!p0 s3, s7;
	s7 =	simm.s32 @!p0 $0x108  }
0x21: {  	s3 =	sadd.s32 s3, s9;
	s6 =	sadd.s32 @!p0 $0x88, s6;
	s7 =	simm.s32 @p2 $0x1082  }
0x22: {  	[simem:s7], [sflag:s8] =	dma.local @!p0 [hbm:s6], $0xF7A  }
0x23: {  	s9 =	sor.u32 $0xD0000000, s2;
	s6 =	simm.s32 $0x108;
	_ =	swait.ge @!p0 [sflag:s8], $0x0  }
0x24: {  	s3 =	sadd.s32 $0x88, s3;
	s6 =	simm.s32 @!p1 $0x1082;
	[sflag:s4] =	ssyncset.s32 $0xFFFFF086  }
0x25: {  	[simem:s6], [sflag:s4] =	dma.local [hbm:s3], $0xF7A  }
0x26: {  	[smem:$0x3F99] =	sst s1;
	(tag) =	ssettag s2;
	_ =	strace s9  }
0x27: {  	s1 =	sld [smem:$0x3FA9]  }
0x28: {  	s2 =	sld [smem:$0x3FAA]  }
0x29: {  	s4 =	sld [smem:$0x3FAC]  }
0x2a: {  	p0 =	seq.s32 s5, $0x0;
	s5 =	sld [smem:$0x3FAD]  }
0x2b: {  	s6 =	sld [smem:$0x3FAE]  }
0x2c: {  	s7 =	sld [smem:$0x3FAF]  }
0x2d: {  	s3 =	simm.s32 $0x108;
	s8 =	sld [smem:$0x3FB0]  }
0x2e: {  	s3 =	simm.s32 @!p0 $0x1082;
	s9 =	sld [smem:$0x3FB1]  }
0x2f: {  	lr =	sadd.s32 s0, s3;
	s0 =	sld [smem:$0x3FA8]  }
0x30: {  	s3 =	sld [smem:$0x3FAB]  }
0x31: {  	[smem:$0x3FB4] =	sst s10  }
0x32: {  	s10 =	sld [smem:$0x3FB2];
	_ =	sdelay $0x3  }
0x33: {  	p0 =	seq.s32 s10, $0x1;
	s10 =	sld [smem:$0x3FB4];
	_ =	sdelay $0x3  }
0x34: {  	[smem:$0x3FB4] =	sst s10  }
0x35: {  	s10 =	sld [smem:$0x3FB3];
	_ =	sdelay $0x3  }
0x36: {  	p1 =	seq.s32 s10, $0x1;
	s10 =	sld [smem:$0x3FB4];
	_ =	sdelay $0x3  }
0x37: {  	[smem:$0x3FB4] =	sst s10  }
0x38: {  	s10 =	sld [smem:$0x3FB5]  }
0x39: {  	_ = 	snop;
	(pc) =	sbr.ind lr, $3  }
0x3a: {  	_ = 	snop  }
0x3b: {  	_ = 	snop  }
0x3c: {  	p2 =	seq.s32 s10, $0x1;
	s10 =	sld [smem:$0x3FB4]  }
0x3d: {  	_ =	shalt  }
0x3e: {  	_ =	shalt  }
0x3f: {  	_ =	shalt  }
0x40: {  	_ =	shalt  }
0x41: {  	_ =	shalt  }
0x42: {  	_ =	shalt  }
0x43: {  	_ =	shalt  }
0x44: {  	_ =	shalt  }
0x45: {  	_ =	shalt  }
0x46: {  	_ =	shalt  }
0x47: {  	_ =	shalt  }
0x48: {  	_ =	shalt  }
0x49: {  	_ =	shalt  }
0x4a: {  	_ =	shalt  }
0x4b: {  	_ =	shalt  }
0x4c: {  	_ =	shalt  }
0x4d: {  	_ =	shalt  }
0x4e: {  	_ =	shalt  }
0x4f: {  	_ =	shalt  }
0x50: {  	_ =	shalt  }
0x51: {  	_ =	shalt  }
0x52: {  	_ =	shalt  }
0x53: {  	_ =	shalt  }
0x54: {  	_ =	shalt  }
0x55: {  	_ =	shalt  }
0x56: {  	_ =	shalt  }
0x57: {  	_ =	shalt  }
0x58: {  	_ =	shalt  }
0x59: {  	_ =	shalt  }
0x5a: {  	_ =	shalt  }
0x5b: {  	_ =	shalt  }
0x5c: {  	_ =	shalt  }
0x5d: {  	_ =	shalt  }
0x5e: {  	_ =	shalt  }
0x5f: {  	_ =	shalt  }
0x60: {  	_ =	shalt  }
0x61: {  	_ =	shalt  }
0x62: {  	_ =	shalt  }
0x63: {  	_ =	shalt  }
0x64: {  	_ =	shalt  }
0x65: {  	_ =	shalt  }
0x66: {  	_ =	shalt  }
0x67: {  	_ =	shalt  }
0x68: {  	_ =	shalt  }
0x69: {  	_ =	shalt  }
0x6a: {  	_ =	shalt  }
0x6b: {  	_ =	shalt  }
0x6c: {  	_ =	shalt  }
0x6d: {  	_ =	shalt  }
0x6e: {  	_ =	shalt  }
0x6f: {  	_ =	shalt  }
0x70: {  	_ =	shalt  }
0x71: {  	_ =	shalt  }
0x72: {  	_ =	shalt  }
0x73: {  	_ =	shalt  }
0x74: {  	_ =	shalt  }
0x75: {  	_ =	shalt  }
0x76: {  	_ =	shalt  }
0x77: {  	_ =	shalt  }
0x78: {  	_ =	shalt  }
0x79: {  	_ =	shalt  }
0x7a: {  	_ =	shalt  }
0x7b: {  	_ =	shalt  }
0x7c: {  	_ =	shalt  }
0x7d: {  	_ =	shalt  }
0x7e: {  	_ =	shalt  }
0x7f: {  	_ =	shalt  }
0x80: {  	_ =	shalt  }
0x81: {  	_ =	shalt  }
0x82: {  	_ =	shalt  }
0x83: {  	_ =	shalt  }
0x84: {  	_ =	shalt  }
0x85: {  	_ =	shalt  }
0x86: {  	_ =	shalt  }
0x87: {  	_ =	shalt  }
.Lfunc_end0:
.L_simem_size_0:
called_computation_lowered:
.L_overlay_start_0:
0x88: {  	s2 =	sld [smem:$0x3FD9]  }
0x89: {  	s3 =	sld [smem:$0x3FFE];
	_ =	sdelay $0x1  }
0x8a: {  	s1 =	srdreg.scid  }
0x8b: {  	s0 =	sand.u32 $0x1, s1  }
0x8c: {  	s14 =	sshll.u32 s0, $0xA;
	s2 =	sadd.s32 s3, s2  }
0x8d: {  	s2 =	sadd.s32 s2, s14  }
0x8e: {  	[smem:$0x3FC0] =	sst s2  }
0x8f: {  	_ = 	snop  }
0x90: {  	s2 =	sld [smem:$0x3FD0];
	_ =	sdelay $0x2  }
0x91: {  	s15 =	simm.s32 $0xA;
	s4 =	simm.s32 $0x10  }
0x92: {  	[smem:s4], [sflag:s15] =	dma.local [hbm:s2], $0x1  }
0x93: {  	_ =	swait.eq [sflag:s15], $0x1  }
0x94: {  	[sflag:s15] =	ssyncset.done $0x0  }
0x95: {  	[sflag:s15] =	ssyncadd.s32 $0xFFFFFFFF  }
0x96: {  	s16 =	sld [smem:$0x11];
	(tm) =	ssettm $0x1  }
0x97: {  	s17 =	sld [smem:$0x3FFB];
	_ =	sdelay $0x3  }
0x98: {  	_ =	strace s17  }
0x99: {  	s3 =	sld [smem:$0x3FFC];
	_ =	sdelay $0x3  }
0x9a: {  	_ =	strace s3  }
0x9b: {  	s3 =	sld [smem:$0x3FFD];
	_ =	sdelay $0x3  }
0x9c: {  	_ =	strace s3  }
0x9d: {  	_ =	strace $0x8FFFFFFF  }
0x9e: {  	s18 =	sld [smem:$0x3FDB];
	_ =	sdelay $0x1  }
0x9f: {  	s19 =	simm.s32 $_scs_section_size  }
0xa0: {  	s5 =	simm.s32 $_size__tile_overlayer_lowered;
	s6 =	simm.s32 $_tile_overlayer_lowered  }
0xa1: {  	s22 =	simm.s32 $0x1BFF;
	s21 =	sshll.u32 s6, $0x1;
	s3 =	sadd.s32 s19, s18  }
0xa2: {  	s7 =	simm.s32 $0x0;
	s20 =	sshll.u32 s5, $0x1;
	s5 =	sadd.s32 s21, s3  }
0xa3: {  	[timem:s7], [sflag:s22] =	dma.local [hbm:s5], s20  }
0xa4: {  	_ =	swait.ge [sflag:s22], s20  }
0xa5: {  	s4 =	ssub.s32 $0x0, s20;
	[sflag:s22] =	ssyncset.done $0x0  }
0xa6: {  	[sflag:s22] =	ssyncadd.s32 s4;
	_ =	sdelay $0x1  }
0xa7: {  	s23 =	simm.s32 $0x1B8B  }
0xa8: {  	_ =	swait.ge [sflag:s23], $0x1  }
0xa9: {  	[sflag:s23] =	ssyncset.done $0x0  }
0xaa: {  	s25 =	simm.s32 $0x1B8E;
	s24 =	sld [smem:$0x3FFE];
	[sflag:s23] =	ssyncadd.s32 $0xFFFFFFFF  }
0xab: {  	s26 =	simm.s32 $execute0_lowered;
	[smem:$0x3FD2] =	sst s25  }
0xac: {  	s5 =	sshll.u32 s26, $0x1;
	_ =	strace $0x80000046;
	[dreg:$0x1] =	wrdreg $0xFFFFFFFF  }
0xad: {  	s28 =	simm.s32 $_size_execute0_lowered;
	s3 =	sadd.s32 s3, s5;
	[dreg:$0x0] =	wrdreg $0x0  }
0xae: {  	s5 =	sshll.u32 s28, $0x1;
	[dreg:$0x2] =	wrdreg s3  }
0xaf: {  	[dreg:$0x3] =	wrdreg s5  }
0xb0: {  	[dreg:$0x4] =	wrdreg $0xC0  }
0xb1: {  	_ =	task [dreg:s7], $0x5FFFF  }
0xb2: {  	[dreg:$0x1] =	wrdreg $0xFFFFFFFF  }
0xb3: {  	[dreg:$0x0] =	wrdreg $0x60  }
0xb4: {  	[dreg:$0x2] =	wrdreg s24  }
0xb5: {  	[dreg:$0x3] =	wrdreg s16  }
0xb6: {  	[dreg:$0x4] =	wrdreg $0x9  }
0xb7: {  	_ =	task.clear_ibuf [dreg:s7], $0x5FFFF;
	_ =	strace $0x90000046  }
0xb8: {  	s29 =	simm.s32 $0x9;
	_ =	strace $0x80000048  }
0xb9: {  	_ =	swait.ge [sflag:s29], $0x1  }
0xba: {  	[sflag:s29] =	ssyncadd.s32 $0xFFFFFFFF  }
0xbb: {  	_ =	strace $0x90000048  }
0xbc: {  	_ =	sfence  }
0xbd: {  	s30 =	sld [smem:$0x0];
	_ =	sdelay $0x2  }
0xbe: {  	s31 =	sshll.u32 s1, $0xD;
	s1 =	sshrl.u32 s1, $0x2  }
0xbf: {  	s3 =	sand.u32 $0x4000, s31;
	s1 =	sadd.s32 s1, s30  }
0xc0: {  	s0 =	sor.u32 s3, s0;
	s1 =	sshll.u32 s1, $0x11  }
0xc1: {  	s0 =	sor.u32 s1, s0  }
0xc2: {  	s0 =	sadd.s32 $0x8F2B, s0  }
0xc3: {  	[sflag:s0] =	ssyncadd.remote.s32 $0x1  }
0xc4: {  	_ =	sfence.sel $0xFFFF  }
0xc5: {  	[dreg:$0x0] =	wrdreg $0xFFFFFFFF;
	(pc) =	sbr.abs _section_cstart, $3  }
0xc6: {  	[dreg:$0x1] =	wrdreg $0xFFFFFFFF  }
0xc7: {  	_ =	task.clear_ibuf [dreg:s7], $0x2FFFF;
	_ =	strace $0x9FFFFFFF  }
0xc8: {  	(tm) =	ssettm $0x7FFFFFFF  }
0xc9: {  	_ =	shalt  }
tec
execute0_lowered:
.L_overlay_start_1:
0x0: {  	(tag) =	ssettag $0x1  }
0x1: {  	s0 =	rddreg [dreg:$0x0]  }
0x2: {  	s2 =	rddreg [dreg:$0x1]  }
0x3: {  	s1 =	srdreg.scid;
	s6 =	stileid.u32  }
0x4: {  	s3 =	simm.s32 $0x0;
	s19 =	simm.s32 $0x2;
	s28 =	simm.s32 $0x2200  }
0x5: {  	s29 =	simm.s32 $0x2210;
	s30 =	simm.s32 $0x1;
	s1 =	sand.u32 $0x1, s1  }
0x6: {  	s4 =	sshll.u32 s6, $0x8;
	[smem:$0x7FF] =	sst s3;
	s7 =	sshrl.u32 s6, $0x1  }
0x7: {  	s10 =	sadd.s32 $0x2400, s0;
	s14 =	sadd.s32 $0x1600, s0;
	s6 =	sadd.s32 $0x63C00, s0  }
0x8: {  	s5 =	sshll.u32 s1, $0x7;
	_ =	strace $0x80000047;
	s21 =	sshll.u32 s7, $0x9  }
0x9: {  	s11 =	sshll.u32 s7, $0x8;
	s1 =	ssub.s32 $0x2, s1;
	s23 =	sor.u32 $0x8, s7  }
0xa: {  	s4 =	sor.u32 s5, s4;
	s12 =	sadd.s32 s11, s0;
	s8 =	sshrl.u32 s1, $0x1  }
0xb: {  	s11 =	sadd.s32 s10, s11;
	s24 =	sshll.u32 s23, $0x8;
	s9 =	sand.u32 $0x180, s4  }
0xc: {  	s22 =	ssub.s32 s1, s8;
	s8 =	sshll.u32 s7, $0xB;
	s7 =	sor.u32 $0x10, s7  }
0xd: {  	[dreg:$0x3] =	wrdreg s11;
	s11 =	sadd.s32 s10, s24;
	s25 =	sadd.s32 $0x1C00, s12  }
0xe: {  	s1 =	sshll.u32 s23, $0x9;
	s26 =	sor.u32 $0x7F, s4;
	s23 =	simm.s32 $0x2000  }
0xf: {  	s24 =	simm.s32 $0x2080;
	s5 =	sor.u32 s21, s9;
	[dreg:$0x4] =	wrdreg s11  }
0x10: {  	s16 =	sshll.u32 s7, $0x8;
	[dreg:$0x6] =	wrdreg s25;
	s31 =	smul.u32 $0x60, s26  }
0x11: {  	s7 =	sshll.u32 s7, $0x9;
	s1 =	sor.u32 s9, s1;
	s17 =	smul.u32 $0xC0, s26  }
0x12: {  	s18 =	smax.u32 s22, $0x1;
	s25 =	simm.s32 $0x2100;
	s26 =	simm.s32 $0x2180  }
0x13: {  	s13 =	sshrl.u32 s5, $0x3;
	s5 =	sadd.s32 $0x3C00, s0;
	s10 =	sadd.s32 s10, s16  }
0x14: {  	s7 =	sor.u32 s9, s7;
	s1 =	sshrl.u32 s1, $0x3;
	s15 =	sadd.s32 s13, s0  }
0x15: {  	[dreg:$0x5] =	wrdreg s10;
	s7 =	sshrl.u32 s7, $0x3;
	s12 =	sadd.s32 s14, s13  }
0x16: {  	v0 =	vlaneseq.u32;
	s13 =	sadd.s32 s14, s1;
	s16 =	sadd.s32 s5, s31;
	s17 =	sadd.s32 s6, s17  }
0x17: {  	v1 =	vimm.s32 $0x0;
	vm0 =	vmmov $0xffff;
	v2 =	vor.u32 $0x10, v0;
	s1 =	simm.s32 $0x0;
	s14 =	sadd.s32 s14, s7;
	s15 =	sadd.s32 $0x1400, s15  }
.LBB2_1:
0x18: {  	s0 =	rddreg [dreg:$0x3]  }
0x19: {  	[tilespmem:s3], [sflag:$0x2] =	stream.linear.gather [hbm4b:s0+s3], $0x800, $0x38;
	[tilespmem:$0x3430] =	vst v63  }
0x1a: {  	_ =	swait.ge [sflag:s19], $0x800  }
0x1b: {  	[sflag:s19] =	ssyncset.done $0x0  }
0x1c: {  	s7 =	simm.s32 $0x800;
	s11 =	rddreg [dreg:$0x4];
	[sflag:s19] =	ssyncadd.s32 $0xFFFFF800  }
0x1d: {  	[tilespmem:s7], [sflag:$0x2] =	stream.linear.gather [hbm4b:s11+s3], $0x800, $0x38;
	[tilespmem:$0x3430] =	vst v63  }
0x1e: {  	_ =	swait.ge [sflag:s19], $0x800  }
0x1f: {  	[sflag:s19] =	ssyncset.done $0x0  }
0x20: {  	s21 =	simm.s32 $0x1000;
	s20 =	rddreg [dreg:$0x5];
	[sflag:s19] =	ssyncadd.s32 $0xFFFFF800  }
0x21: {  	[tilespmem:s21], [sflag:$0x2] =	stream.linear.gather [hbm4b:s20+s3], $0x800, $0x38;
	[tilespmem:$0x3430] =	vst v63  }
0x22: {  	_ =	swait.ge [sflag:s19], $0x800  }
0x23: {  	[sflag:s19] =	ssyncset.done $0x0  }
0x24: {  	s31 =	simm.s32 $0x1800;
	s22 =	rddreg [dreg:$0x6];
	[sflag:s19] =	ssyncadd.s32 $0xFFFFF800  }
0x25: {  	[tilespmem:s31], [sflag:$0x2] =	stream.linear.gather [hbm4b:s22+s3], $0x800, $0x38;
	[tilespmem:$0x3430] =	vst v63  }
0x26: {  	_ =	swait.ge [sflag:s19], $0x800  }
0x27: {  	[sflag:s19] =	ssyncset.done $0x0  }
0x28: {  	[sflag:s19] =	ssyncadd.s32 $0xFFFFF800  }
0x29: {  	[tilespmem:s23], [sflag:$0x2] =	stream.linear.gather [hbm4b:s12+s3], $0x80, $0x38;
	[tilespmem:$0x3430] =	vst v63  }
0x2a: {  	_ =	swait.ge [sflag:s19], $0x80  }
0x2b: {  	[sflag:s19] =	ssyncset.done $0x0  }
0x2c: {  	[sflag:s19] =	ssyncadd.s32 $0xFFFFFF80  }
0x2d: {  	[tilespmem:s24], [sflag:$0x2] =	stream.linear.gather [hbm4b:s13+s3], $0x80, $0x38;
	[tilespmem:$0x3430] =	vst v63  }
0x2e: {  	_ =	swait.ge [sflag:s19], $0x80  }
0x2f: {  	[sflag:s19] =	ssyncset.done $0x0  }
0x30: {  	[sflag:s19] =	ssyncadd.s32 $0xFFFFFF80  }
0x31: {  	[tilespmem:s25], [sflag:$0x2] =	stream.linear.gather [hbm4b:s14+s3], $0x80, $0x38;
	[tilespmem:$0x3430] =	vst v63  }
0x32: {  	_ =	swait.ge [sflag:s19], $0x80  }
0x33: {  	[sflag:s19] =	ssyncset.done $0x0  }
0x34: {  	[sflag:s19] =	ssyncadd.s32 $0xFFFFFF80  }
0x35: {  	[tilespmem:s26], [sflag:$0x2] =	stream.linear.gather [hbm4b:s15+s3], $0x80, $0x38;
	[tilespmem:$0x3430] =	vst v63  }
0x36: {  	_ =	swait.ge [sflag:s19], $0x80  }
0x37: {  	[sflag:s19] =	ssyncset.done $0x0  }
0x38: {  	s20 =	simm.s32 $0x0;
	[sflag:s19] =	ssyncadd.s32 $0xFFFFFF80  }
.LBB2_2:
0x39: {  	v3 =	vmov s20;
	_ =	sdelay $0x4  }
0x3a: {  	v4 =	vld.idx.msk [tilespmem:v3+s23+$0x0], $0xffff  }
0x3b: {  	v5 =	vld.idx.msk [tilespmem:v3+s24+$0x0], $0xffff  }
0x3c: {  	s9 =	simm.s32 $0x0;
	s21 =	simm.s32 $0x800;
	s22 =	simm.s32 $0x1000;
	v6 =	vld.idx.msk [tilespmem:v3+s25+$0x0], $0xffff  }
0x3d: {  	s31 =	simm.s32 $0x1800;
	s0 =	simm.s32 $0x0;
	s7 =	smov.u32 s8;
	v7 =	vimm.s32 $0x0;
	v8 =	vld.idx.msk [tilespmem:v3+s26+$0x0], $0xffff;
	v3 =	vimm.s32 $0x0  }
.LBB2_3:
0x3e: {  	v9 =	vld [tilespmem:s0+$0x0]  }
0x3f: {  	v10 =	vld [tilespmem:s21+$0x0];
	_ =	sdelay $0x1  }
0x40: {  	v11 =	vld [tilespmem:s22+$0x0];
	_ =	sdelay $0x2  }
0x41: {  	v9 =	vmul.f32 v9, v4;
	v10 =	vmul.f32 v10, v5  }
0x42: {  	v12 =	vld [tilespmem:s31+$0x0]  }
0x43: {  	v9 =	vadd.f32 v10, v9;
	v10 =	vmul.f32 v11, v6;
	_ =	sdelay $0x1  }
0x44: {  	v9 =	vadd.f32 v10, v9;
	_ =	sdelay $0x1  }
0x45: {  	v10 =	vadd.f32 v12, v8;
	v9 =	vadd.f32 v9, v9;
	_ =	sdelay $0x1  }
0x46: {  	v9 =	vsub.f32 v10, v9;
	_ =	sdelay $0x1  }
0x47: {  	vm1 =	vle.f32 v9, $3.999999910e-02  }
0x48: {  	vm2 =	vle.f32 v9, $1.599999960e-01;
	v10 =	vsel vm1, $0x1, v1  }
0x49: {  	v9 =	vsel vm2, $0x1, v1;
	(xrf0) =	vadd.scan.msk.s32 $0xffff, v10  }
0x4a: {  	(xrf0) =	vadd.scan.msk.s32 $0xffff, v9;
	_ =	sdelay $0x3  }
0x4b: {  	v10 =	vmpcnt.ones.xlane vm1  }
0x4c: {  	v63 =	vmpcnt.ones.xlane vm2;
	v9, _, _ =	vpop (xrf0)  }
0x4d: {  	v9 =	vadd.s32 v9, v7;
	v11, _, _ =	vpop (xrf0);
	v7 =	vadd.s32 v7, v10  }
0x4e: {  	v10 =	vadd.s32 v11, v3;
	v3 =	vadd.s32 v3, v63;
	(v2sf) =	vpush v7, $0x0  }
0x4f: {  	(v2sf) =	vpush v3, $0x0;
	_ =	sdelay $0xd  }
0x50: {  	v9 =	vadd.s32 $0xFFFFFFFF, v9;
	s10 =	spop (v2sf)  }
0x51: {  	vm3 =	vlt.s32 v9, $0x10;
	v10 =	vadd.s32 $0xFFFFFFFF, v10;
	s11 =	spop (v2sf)  }
0x52: {  	vm1 =	vmand vm1, vm3;
	vm3 =	vlt.s32 v10, $0x20;
	p0 =	slt.s32 s10, $0x10;
	p1 =	slt.s32 s11, $0x20  }
0x53: {  	p2 =	sgt.u32 s9, $0x7E;
	vm2 =	vmand vm2, vm3;
	p0 =	por p0, p1  }
0x54: {  	p0 =	por p2, !p0  }
.Ltmp0:
0x55: {  	_ = 	snop;
	(pc) =	sbr.rel @!p0 .LBB2_3-.Ltmp0, $4  }
0x56: {  	_ = 	snop  }
0x57: {  	s0 =	sadd.s32 $0x10, s0;
	v11 =	vor.u32 s7, v0  }
0x58: {  	s21 =	sadd.s32 $0x10, s21;
	s22 =	sadd.s32 $0x10, s22;
	[tilespmem:v9+s28+$0x0] =	vst.idx.msk vm1, v11;
	s11 =	sadd.s32 $0x1, s9  }
0x59: {  	s31 =	sadd.s32 $0x10, s31;
	s7 =	sadd.s32 $0x10, s7;
	[tilespmem:v10+s29+$0x0] =	vst.idx.msk vm2, v11;
	s9 =	smov.u32 s11  }
0x5a: {  	v4 =	vld [tilespmem:$0x2220]  }
0x5b: {  	v5 =	vld [tilespmem:$0x2210]  }
0x5c: {  	v6 =	vld [tilespmem:$0x2200];
	_ =	sdelay $0x1  }
0x5d: {  	vm1 =	vgt.s32 v3, v2  }
0x5e: {  	v8 =	vnsel vm1, $0x7FFFFFFF, v4  }
0x5f: {  	vm3 =	vgt.s32 v7, v0;
	vm2 =	vlt.s32 v5, v8  }
0x60: {  	v63 =	vsel vm2, v5, v8;
	vm2 =	vgt.s32 v3, v0;
	v3 =	vxor.u32 $0x80000000, v6  }
0x61: {  	v7 =	vsel vm2, v63, v8;
	v3 =	vnsel vm3, $0xFFFFFFFF, v3  }
0x62: {  	(xrf0) =	vmin.scan.msk.u32 $0xffff, v3;
	v3 =	vxor.u32 $0x80000000, v7  }
0x63: {  	(xrf0) =	vmin.scan.msk.u32 $0xffff, v3;
	_ =	sdelay $0x4  }
0x64: {  	v3, _, _ =	vpop (xrf0)  }
0x65: {  	(v2sf) =	vpush v3, $0xF;
	v3, _, _ =	vpop (xrf0)  }
0x66: {  	(v2sf) =	vpush v3, $0xF;
	_ =	sdelay $0xd  }
0x67: {  	p0 =	seq.s32 s20, $0x0;
	s0 =	spop (v2sf)  }
0x68: {  	s9 =	simm.s32 @!p0 $0x1;
	s7 =	spop (v2sf)  }
0x69: {  	_ =	swait.ge @!p0 [sflag:s9], $0x300  }
0x6a: {  	s10 =	sand.u32 $0x1, s20;
	[sflag:s9] =	ssyncset.done @!p0 $0x0  }
0x6b: {  	s11 =	sxor.u32 @!p0 $0x1, s10;
	s21 =	sor.u32 @!p0 s4, s20;
	[sflag:s9] =	ssyncadd.s32 @!p0 $0xFFFFFD00  }
0x6c: {  	s21 =	sadd.s32 @!p0 $0xFFFFFFFF, s21;
	s22 =	smul.u32 @!p0 $0xC00, s11;
	_ =	swait.ge @!p0 [sflag:s9], $0x600  }
0x6d: {  	s31 =	smul.u32 @!p0 $0x60, s21;
	[sflag:s9] =	ssyncset.done @!p0 $0x0  }
0x6e: {  	s21 =	smul.u32 @!p0 $0xC0, s21;
	[sflag:s9] =	ssyncadd.s32 @!p0 $0xFFFFFA00;
	s9 =	sshrl.u32 @!p0 s22, $0x2  }
0x6f: {  	s22 =	sadd.s32 @!p0 s5, s31;
	s31 =	simm.s32 @!p0 $0x0;
	s9 =	sadd.s32 @!p0 $0x2230, s9  }
0x70: {  	[hbm4b:s22+s31] =	stream.linear.scatter @!p0 [tilespmem:s9], [sflag:$0x2], $0x300, $0x38;
	[tilespmem:$0x3430] =	vst v63  }
0x71: {  	s9 =	smul.u32 @!p0 $0x1800, s11;
	s11 =	simm.s32 @!p0 $0x2  }
0x72: {  	_ =	swait.ge @!p0 [sflag:s11], $0x300  }
0x73: {  	s21 =	sadd.s32 @!p0 s6, s21;
	s9 =	sshrl.u32 @!p0 s9, $0x2;
	[sflag:s11] =	ssyncset.done @!p0 $0x0  }
0x74: {  	s0 =	sxor.u32 $0x80000000, s0;
	s9 =	sor.u32 @!p0 $0x2830, s9;
	[sflag:s11] =	ssyncadd.s32 @!p0 $0xFFFFFD00  }
0x75: {  	v3 =	vnsel vm3, s0, v6;
	[hbm4b:s21+s31] =	stream.linear.scatter @!p0 [tilespmem:s9], [sflag:$0x2], $0x600, $0x38;
	[tilespmem:$0x3430] =	vst v63  }
0x76: {  	s9 =	smul.u32 $0xC00, s10  }
0x77: {  	s20 =	sadd.s32 $0x1, s20;
	s7 =	sxor.u32 $0x80000000, s7;
	_ =	swait.ge @!p0 [sflag:s11], $0x600  }
0x78: {  	v5 =	vnsel vm2, s7, v5;
	s21 =	smul.u32 $0x1800, s10;
	[sflag:s11] =	ssyncset.done @!p0 $0x0;
	s0 =	sshrl.u32 s9, $0x2  }
0x79: {  	[sflag:s11] =	ssyncadd.s32 @!p0 $0xFFFFFA00;
	s0 =	sadd.s32 $0x2230, s0;
	p0 =	sne.s32 s20, $0x80  }
0x7a: {  	v4 =	vnsel vm1, s7, v4;
	[tilespmem:s0], [sflag:$0x1] =	stream.indirect_vreg.gather [hbm4b:s2+s3], $0x30, v3, vm0, $0xb8;
	[tilespmem:$0x3430] =	vst v63  }
.Ltmp1:
0x7b: {  	s22 =	sshrl.u32 s21, $0x2;
	(pc) =	sbr.rel @p0 .LBB2_2-.Ltmp1, $4  }
0x7c: {  	s31 =	sor.u32 $0x2830, s22  }
0x7d: {  	[tilespmem:s31], [sflag:$0x1] =	stream.indirect_vreg.gather [hbm4b:s2+s3], $0x30, v5, vm0, $0xb8;
	[tilespmem:$0x3430] =	vst v63  }
0x7e: {  	s0 =	sadd.s32 $0x2B30, s22  }
0x7f: {  	[tilespmem:s0], [sflag:$0x1] =	stream.indirect_vreg.gather [hbm4b:s2+s3], $0x30, v4, vm0, $0xb8;
	[tilespmem:$0x3430] =	vst v63  }
0x80: {  	_ =	swait.ge [sflag:s30], $0x300  }
0x81: {  	[sflag:s30] =	ssyncset.done $0x0  }
0x82: {  	[sflag:s30] =	ssyncadd.s32 $0xFFFFFD00  }
0x83: {  	_ =	swait.ge [sflag:s30], $0x600  }
0x84: {  	[sflag:s30] =	ssyncset.done $0x0  }
0x85: {  	s0 =	simm.s32 $0x2530;
	[sflag:s30] =	ssyncadd.s32 $0xFFFFFA00  }
0x86: {  	[hbm4b:s16+s3] =	stream.linear.scatter [tilespmem:s0], [sflag:$0x2], $0x300, $0x38;
	[tilespmem:$0x3430] =	vst v63  }
0x87: {  	s1 =	sadd.s32 $0x1, s1;
	_ =	swait.ge [sflag:s19], $0x300  }
0x88: {  	p0 =	sne.s32 s1, s18;
	[sflag:s19] =	ssyncset.done $0x0  }
.Ltmp2:
0x89: {  	s31 =	simm.s32 $0x2E30;
	[sflag:s19] =	ssyncadd.s32 $0xFFFFFD00;
	(pc) =	sbr.rel @p0 .LBB2_1-.Ltmp2, $4  }
0x8a: {  	[hbm4b:s17+s3] =	stream.linear.scatter [tilespmem:s31], [sflag:$0x2], $0x600, $0x38;
	[tilespmem:$0x3430] =	vst v63  }
0x8b: {  	_ =	swait.ge [sflag:s19], $0x600  }
0x8c: {  	[sflag:s19] =	ssyncset.done $0x0  }
0x8d: {  	[sflag:s19] =	ssyncadd.s32 $0xFFFFFA00  }
0x8e: {  	_ =	sfence.sel $0x180000  }
0x8f: {  	[bflag:$0x0] =	sbarrier.arrive $0xFFFF  }
0x90: {  	_ =	strace $0x90000047  }
0x91: {  	s0 =	stileid.u32;
	[bflag:$0x2] =	sbarrier.arrive $0xFFFF  }
0x92: {  	p0 =	sne.s32 s0, $0x0;
	s0 =	rddreg [dreg:$0x2]  }
0x93: {  	s0 =	sadd.s32 @!p0 $0x100000, s0  }
0x94: {  	[sflag:s0] =	ssyncadd.tile.s32 @!p0 $0x1;
	_ =	shalt  }
.Lfunc_end2:
_tile_overlayer_lowered:
.L_overlay_start_2:
0x95: {  	(tag) =	ssettag $0x2  }
0x96: {  	s0 =	rddreg [dreg:$0x0];
	s2 =	stileid.u32  }
0x97: {  	s1 =	rddreg [dreg:$0x1];
	p0 =	sne.s32 s2, $0x0  }
0x98: {  	s3 =	rddreg [dreg:$0x2];
	[bflag:$0x3] =	sbarrier.arrive $0xFFFF;
	s2 =	simm.s32 @!p0 $0x1C02  }
0x99: {  	[timem:s3], [sflag:s2] =	dma.local @!p0 [hbm:s0], s1  }
0x9a: {  	s0 =	simm.s32 @!p0 $0x2  }
0x9b: {  	_ =	swait.ge @!p0 [sflag:s0], s1  }
0x9c: {  	s1 =	ssub.s32 @!p0 $0x0, s1;
	[sflag:s0] =	ssyncset.done @!p0 $0x0  }
0x9d: {  	[sflag:s0] =	ssyncadd.s32 @!p0 s1  }
0x9e: {  	[bflag:$0x3] =	sbarrier.arrive $0xFFFF  }
0x9f: {  	_ =	shalt  }

</sc_bundles>
